<compile_context>
chip_gen: v7x
topology: tpu7x:2x2x1
jax: 0.10.2.dev20260603
libtpu: 0.0.44.dev20260713+nightly
codegen_flags: <defaults>
</compile_context>

<pallas_src>
import functools

import jax
import jax.numpy as jnp
from jax import lax
from jax.experimental import pallas as pl
from jax.experimental.pallas import tpu as pltpu
from jax.experimental.pallas import tpu_sc as plsc


def _argmin_body(z_ref, w_ref, idx_ref):
    C, P = z_ref.shape[1], z_ref.shape[2]
    K = w_ref.shape[0]
    z = z_ref[0]
    w = w_ref[...]
    zsq = jnp.sum(z * z, axis=0)
    wsq = jnp.sum(w * w, axis=1)
    mmn = jax.lax.dot_general(
        -2.0 * z, w, (((0,), (1,)), ((), ())),
        preferred_element_type=jnp.float32)
    dist = (zsq[:, None] + wsq[None, :]) + mmn
    rowmin = jnp.min(dist, axis=1, keepdims=True)
    kiota = jax.lax.broadcasted_iota(jnp.int32, (P, K), 1)
    idx = jnp.min(jnp.where(dist == rowmin, kiota, K), axis=1)
    idx_ref[...] = idx[None, None]


def _make_sc_gather(B, C, P, K, NC, NS):
    NW = NC * NS
    CH_HALF = C // (NW // B)
    CHUNK = 64
    mesh = plsc.VectorSubcoreMesh(core_axis_name="c", subcore_axis_name="s")

    @functools.partial(
        pl.kernel, mesh=mesh,
        out_type=[jax.ShapeDtypeStruct((B * C * P,), jnp.float32),
                  jax.ShapeDtypeStruct((B * C * P,), jnp.float32)],
        compiler_params=pltpu.CompilerParams(needs_layout_passes=False),
        scratch_types=[pltpu.VMEM((P,), jnp.int32),
                       pltpu.VMEM((CHUNK * P,), jnp.float32),
                       pltpu.VMEM((P,), jnp.float32)],
    )
    def sc_gather(wt_hbm, idx_hbm, q_hbm, ste_hbm, idx_v, wchunk_v, out_v):
        wid = lax.axis_index("s") * NC + lax.axis_index("c")
        b = wid // (NW // B)
        half = wid % (NW // B)
        pltpu.sync_copy(idx_hbm.at[b], idx_v)
        base_ch = half * CH_HALF
        for chunk in range(CH_HALF // CHUNK):
            ch0 = base_ch + chunk * CHUNK
            pltpu.sync_copy(wt_hbm.at[pl.ds(ch0 * P, CHUNK * P)], wchunk_v)

            def cl_body(cl, _, ch0=ch0):
                rbase = jnp.full((16,), cl * P, jnp.int32)
                for i in range(P // 16):
                    iv = idx_v[pl.ds(i * 16, 16)] + rbase
                    out_v[pl.ds(i * 16, 16)] = plsc.load_gather(
                        wchunk_v, [iv])
                off = (b * C + ch0 + cl) * P
                pltpu.sync_copy(out_v, q_hbm.at[pl.ds(off, P)])
                pltpu.sync_copy(out_v, ste_hbm.at[pl.ds(off, P)])
                return 0

            lax.fori_loop(0, CHUNK, cl_body, 0)

    return sc_gather


def kernel(z, W):
    B, C, H, Wd = z.shape
    P = H * Wd
    K = W.shape[0]
    zf = z.reshape(B, C, P)
    idx = pl.pallas_call(
        _argmin_body,
        grid=(B,),
        in_specs=[
            pl.BlockSpec((1, C, P), lambda b: (b, 0, 0)),
            pl.BlockSpec((K, C), lambda b: (0, 0)),
        ],
        out_specs=pl.BlockSpec((1, 1, P), lambda b: (b, 0, 0)),
        out_shape=jax.ShapeDtypeStruct((B, 1, P), jnp.int32),
    )(zf, W)
    info = plsc.get_sparse_core_info()
    sc = _make_sc_gather(B, C, P, K, info.num_cores, info.num_subcores)
    qflat, steflat = sc(W.T.reshape(-1), idx.reshape(B, P))
    return (qflat.reshape(B, C, H, Wd), steflat.reshape(B, C, H, Wd),
            idx.reshape(B, H, Wd))

# --- scband reference (transcript-rebuilt; emitter-appended) ---
"""Pipeline reference for scband-quantize-31155692765408 (READ-ONLY COPY).

The authoritative reference and input builder live on the scoring server;
editing this copy changes nothing except your own understanding.
"""

import jax, jax.numpy as jnp
import numpy as np

SIZE = 1024
CODE_DIM = 256

def setup_inputs(seed: int = 0) -> dict:
    key = jax.random.key(seed)
    k1, k2 = jax.random.split(key)
    z = jax.random.normal(k1, (16, CODE_DIM, 32, 32), dtype=jnp.float32)
    W = jax.random.uniform(k2, (SIZE, CODE_DIM), minval=-1.0 / SIZE, maxval=1.0 / SIZE, dtype=jnp.float32)
    return {"z": z, "W": W}

def reference(z, W):
    B, C, H, Wd = z.shape
    z_trans = jnp.transpose(z, (0, 2, 3, 1))
    z_flat = z_trans.reshape(-1, C)
    dist = (jnp.sum(z_flat ** 2, axis=1, keepdims=True)
            + jnp.sum(jnp.transpose(W) ** 2, axis=0, keepdims=True)
            - 2.0 * jnp.matmul(z_flat, jnp.transpose(W)))
    encoding_indices = jnp.argmin(dist, axis=1).reshape(B, H, Wd)
    quantized = jnp.take(W, encoding_indices, axis=0)  # [B, H, W, C]
    quantized = jnp.transpose(quantized, (0, 3, 1, 2))  # [B, C, H, W]
    ste = jax.lax.stop_gradient(quantized - z) + z
    return (quantized, ste, encoding_indices)

if __name__ == "__main__":
    import jax
    _d = setup_inputs()
    print(jax.jit(kernel)(*tuple(_d.values())))

</pallas_src>

<mosaic_0001>
#map = affine_map<(d0, d1) -> (0)>
#map1 = affine_map<(d0, d1) -> (0, 0)>
module attributes {stable_mosaic.version = 14 : i64} {
  func.func @sc_gather(%arg0: i32, %arg1: i32, %arg2: memref<262144xf32, #tpu.memory_space<hbm>>, %arg3: memref<16x1024xi32, #tpu.memory_space<hbm>>, %arg4: memref<4194304xf32, #tpu.memory_space<hbm>>, %arg5: memref<4194304xf32, #tpu.memory_space<hbm>>, %arg6: memref<1024xi32, #tpu.memory_space<vmem>>, %arg7: memref<65536xf32, #tpu.memory_space<vmem>>, %arg8: memref<1024xf32, #tpu.memory_space<vmem>>) attributes {dimension_semantics = [#tpu.dimension_semantics<core_parallel>, #tpu.dimension_semantics<subcore_parallel>], iteration_bounds = array<i64: 2, 16>, scalar_prefetch = 0 : i64, scratch_operands = 3 : i64, tpu.core_type = #tpu.core_type<sc_vector_subcore>, window_params = [{transform_indices = #map}, {transform_indices = #map1}, {transform_indices = #map}, {transform_indices = #map}]} {
    %mul3A = arith.constant 2 : i32
    %mul3A_0 = arith.muli %arg1, %mul3A : i32
    %add3A = arith.addi %mul3A_0, %arg0 : i32
    %jit3A = arith.constant 2 : i32
    %div3A = arith.divsi %add3A, %jit3A : i32
    %sign3A = arith.constant 0 : i32
    %sign3A_1 = arith.cmpi sgt, %add3A, %sign3A : i32
    %sign3A_2 = arith.extui %sign3A_1 : i1 to i32
    %sign3A_3 = arith.constant 0 : i32
    %sign3A_4 = arith.cmpi slt, %add3A, %sign3A_3 : i32
    %sign3A_5 = arith.extui %sign3A_4 : i1 to i32
    %sign3A_6 = arith.subi %sign3A_2, %sign3A_5 : i32
    %sign3A_7 = arith.constant 0 : i32
    %sign3A_8 = arith.cmpi sgt, %jit3A, %sign3A_7 : i32
    %sign3A_9 = arith.extui %sign3A_8 : i1 to i32
    %sign3A_10 = arith.constant 0 : i32
    %sign3A_11 = arith.cmpi slt, %jit3A, %sign3A_10 : i32
    %sign3A_12 = arith.extui %sign3A_11 : i1 to i32
    %sign3A_13 = arith.subi %sign3A_9, %sign3A_12 : i32
    %ne3A = arith.cmpi ne, %sign3A_6, %sign3A_13 : i32
    %rem3A = arith.remsi %add3A, %jit3A : i32
    %ne3A_14 = arith.constant 0 : i32
    %ne3A_15 = arith.cmpi ne, %rem3A, %ne3A_14 : i32
    %and3A = arith.andi %ne3A, %ne3A_15 : i1
    %sub3A = arith.constant 1 : i32
    %sub3A_16 = arith.subi %div3A, %sub3A : i32
    %select_n3A = arith.select %and3A, %sub3A_16, %div3A : i32
    %jit3A_17 = arith.constant 2 : i32
    %eq3A = arith.constant 0 : i32
    %eq3A_18 = arith.cmpi eq, %jit3A_17, %eq3A : i32
    %jit3A_19 = arith.constant 1 : i32
    %select_n3A_20 = arith.select %eq3A_18, %jit3A_19, %jit3A_17 : i32
    %rem3A_21 = arith.remsi %add3A, %select_n3A_20 : i32
    %ne3A_22 = arith.constant 0 : i32
    %ne3A_23 = arith.cmpi ne, %rem3A_21, %ne3A_22 : i32
    %lt3A = arith.constant 0 : i32
    %lt3A_24 = arith.cmpi slt, %rem3A_21, %lt3A : i32
    %lt3A_25 = arith.constant 0 : i32
    %lt3A_26 = arith.cmpi slt, %select_n3A_20, %lt3A_25 : i32
    %ne3A_27 = arith.xori %lt3A_24, %lt3A_26 : i1
    %and3A_28 = arith.andi %ne3A_27, %ne3A_23 : i1
    %add3A_29 = arith.addi %rem3A_21, %select_n3A_20 : i32
    %select_n3A_30 = arith.select %and3A_28, %add3A_29, %rem3A_21 : i32
    "tpu.region"() ({
      %run_scoped3A = tpu.sem_alloc : memref<!tpu.dma_semaphore, #tpu.memory_space<semaphore_mem>>
      %dma_start3A = arith.constant 0 : i32
      %dma_start3A_54 = tpu.memref_slice %arg3[%select_n3A, %dma_start3A] : memref<16x1024xi32, #tpu.memory_space<hbm>> -> memref<1x1024xi32, #tpu.memory_space<hbm>>
      %dma_start3A_55 = tpu.memref_squeeze %dma_start3A_54 : memref<1x1024xi32, #tpu.memory_space<hbm>> -> memref<1024xi32, #tpu.memory_space<hbm>>
      %dma_start3A_56 = arith.constant 0 : i32
      %dma_start3A_57 = tpu.memref_slice %arg3[%select_n3A, %dma_start3A_56] : memref<16x1024xi32, #tpu.memory_space<hbm>> -> memref<1x1024xi32, #tpu.memory_space<hbm>>
      %dma_start3A_58 = tpu.memref_squeeze %dma_start3A_57 : memref<1x1024xi32, #tpu.memory_space<hbm>> -> memref<1024xi32, #tpu.memory_space<hbm>>
      tpu.enqueue_dma source(%dma_start3A_58 : memref<1024xi32, #tpu.memory_space<hbm>>) target(%arg6 : memref<1024xi32, #tpu.memory_space<vmem>>) target_semaphore(%run_scoped3A : memref<!tpu.dma_semaphore, #tpu.memory_space<semaphore_mem>>)
      %dma_wait3A = arith.constant 0 : i32
      %dma_wait3A_59 = tpu.memref_slice %arg3[%select_n3A, %dma_wait3A] : memref<16x1024xi32, #tpu.memory_space<hbm>> -> memref<1x1024xi32, #tpu.memory_space<hbm>>
      %dma_wait3A_60 = tpu.memref_squeeze %dma_wait3A_59 : memref<1x1024xi32, #tpu.memory_space<hbm>> -> memref<1024xi32, #tpu.memory_space<hbm>>
      %dma_wait3A_61 = arith.constant 0 : i32
      %dma_wait3A_62 = tpu.memref_slice %arg3[%select_n3A, %dma_wait3A_61] : memref<16x1024xi32, #tpu.memory_space<hbm>> -> memref<1x1024xi32, #tpu.memory_space<hbm>>
      %dma_wait3A_63 = tpu.memref_squeeze %dma_wait3A_62 : memref<1x1024xi32, #tpu.memory_space<hbm>> -> memref<1024xi32, #tpu.memory_space<hbm>>
      tpu.wait_dma2 semaphore(%run_scoped3A : memref<!tpu.dma_semaphore, #tpu.memory_space<semaphore_mem>>) src(%dma_wait3A_63 : memref<1024xi32, #tpu.memory_space<hbm>>) dst(%arg6 : memref<1024xi32, #tpu.memory_space<vmem>>)
      tpu.yield
    }) : () -> ()
    %mul3A_31 = arith.constant 128 : i32
    %mul3A_32 = arith.muli %select_n3A_30, %mul3A_31 : i32
    %add3A_33 = arith.constant 0 : i32
    %add3A_34 = arith.addi %mul3A_32, %add3A_33 : i32
    %mul3A_35 = arith.constant 1024 : i32
    %mul3A_36 = arith.muli %add3A_34, %mul3A_35 : i32
    "tpu.region"() ({
      %run_scoped3A = tpu.sem_alloc : memref<!tpu.dma_semaphore, #tpu.memory_space<semaphore_mem>>
      %dma_start3A = tpu.memref_slice %arg2[%mul3A_36] : memref<262144xf32, #tpu.memory_space<hbm>> -> memref<65536xf32, #tpu.memory_space<hbm>>
      %dma_start3A_54 = tpu.memref_slice %arg2[%mul3A_36] : memref<262144xf32, #tpu.memory_space<hbm>> -> memref<65536xf32, #tpu.memory_space<hbm>>
      tpu.enqueue_dma source(%dma_start3A_54 : memref<65536xf32, #tpu.memory_space<hbm>>) target(%arg7 : memref<65536xf32, #tpu.memory_space<vmem>>) target_semaphore(%run_scoped3A : memref<!tpu.dma_semaphore, #tpu.memory_space<semaphore_mem>>)
      %dma_wait3A = tpu.memref_slice %arg2[%mul3A_36] : memref<262144xf32, #tpu.memory_space<hbm>> -> memref<65536xf32, #tpu.memory_space<hbm>>
      %dma_wait3A_55 = tpu.memref_slice %arg2[%mul3A_36] : memref<262144xf32, #tpu.memory_space<hbm>> -> memref<65536xf32, #tpu.memory_space<hbm>>
      tpu.wait_dma2 semaphore(%run_scoped3A : memref<!tpu.dma_semaphore, #tpu.memory_space<semaphore_mem>>) src(%dma_wait3A_55 : memref<65536xf32, #tpu.memory_space<hbm>>) dst(%arg7 : memref<65536xf32, #tpu.memory_space<vmem>>)
      tpu.yield
    }) : () -> ()
    %scan3A = arith.constant 0 : i32
    %scan3A_37 = arith.constant 0 : i32
    %scan3A_38 = arith.constant 64 : i32
    %scan3A_39 = arith.addi %scan3A_37, %scan3A_38 : i32
    %scan3A_40 = arith.constant 1 : i32
    %scan3A_41 = scf.for %scan3A_54 = %scan3A_37 to %scan3A_39 step %scan3A_40 iter_args(%scan3A_55 = %scan3A) -> (i32)  : i32 {
      %mul3A_56 = arith.constant 1024 : i32
      %mul3A_57 = arith.muli %scan3A_54, %mul3A_56 : i32
      %broadcast_in_dim3A = vector.broadcast %mul3A_57 : i32 to vector<16xi32>
      %get3A = arith.constant 0 : index
      %get3A_58 = tpu.vector_load %arg6[%get3A] {strides = array<i32>} : memref<1024xi32, #tpu.memory_space<vmem>>, vector<16xi32>,
      %add3A_59 = arith.addi %get3A_58, %broadcast_in_dim3A : vector<16xi32>
      %gather3A = tpu.vector_load_idx %arg7[%add3A_59] : memref<65536xf32, #tpu.memory_space<vmem>>[vector<16xi32>], vector<16xf32>,
      %swap3A = arith.constant 0 : index
      %swap3A_60 = tpu.vector_load %arg8[%swap3A] {strides = array<i32>} : memref<1024xf32, #tpu.memory_space<vmem>>, vector<16xf32>,
      tpu.vector_store %arg8[%swap3A], %gather3A {strides = array<i32>} : memref<1024xf32, #tpu.memory_space<vmem>>, vector<16xf32>,
      %get3A_61 = arith.constant 16 : index
      %get3A_62 = tpu.vector_load %arg6[%get3A_61] {strides = array<i32>} : memref<1024xi32, #tpu.memory_space<vmem>>, vector<16xi32>,
      %add3A_63 = arith.addi %get3A_62, %broadcast_in_dim3A : vector<16xi32>
      %gather3A_64 = tpu.vector_load_idx %arg7[%add3A_63] : memref<65536xf32, #tpu.memory_space<vmem>>[vector<16xi32>], vector<16xf32>,
      %swap3A_65 = arith.constant 16 : index
      %swap3A_66 = tpu.vector_load %arg8[%swap3A_65] {strides = array<i32>} : memref<1024xf32, #tpu.memory_space<vmem>>, vector<16xf32>,
      tpu.vector_store %arg8[%swap3A_65], %gather3A_64 {strides = array<i32>} : memref<1024xf32, #tpu.memory_space<vmem>>, vector<16xf32>,
      %get3A_67 = arith.constant 32 : index
      %get3A_68 = tpu.vector_load %arg6[%get3A_67] {strides = array<i32>} : memref<1024xi32, #tpu.memory_space<vmem>>, vector<16xi32>,
      %add3A_69 = arith.addi %get3A_68, %broadcast_in_dim3A : vector<16xi32>
      %gather3A_70 = tpu.vector_load_idx %arg7[%add3A_69] : memref<65536xf32, #tpu.memory_space<vmem>>[vector<16xi32>], vector<16xf32>,
      %swap3A_71 = arith.constant 32 : index
      %swap3A_72 = tpu.vector_load %arg8[%swap3A_71] {strides = array<i32>} : memref<1024xf32, #tpu.memory_space<vmem>>, vector<16xf32>,
      tpu.vector_store %arg8[%swap3A_71], %gather3A_70 {strides = array<i32>} : memref<1024xf32, #tpu.memory_space<vmem>>, vector<16xf32>,
      %get3A_73 = arith.constant 48 : index
      %get3A_74 = tpu.vector_load %arg6[%get3A_73] {strides = array<i32>} : memref<1024xi32, #tpu.memory_space<vmem>>, vector<16xi32>,
      %add3A_75 = arith.addi %get3A_74, %broadcast_in_dim3A : vector<16xi32>
      %gather3A_76 = tpu.vector_load_idx %arg7[%add3A_75] : memref<65536xf32, #tpu.memory_space<vmem>>[vector<16xi32>], vector<16xf32>,
      %swap3A_77 = arith.constant 48 : index
      %swap3A_78 = tpu.vector_load %arg8[%swap3A_77] {strides = array<i32>} : memref<1024xf32, #tpu.memory_space<vmem>>, vector<16xf32>,
      tpu.vector_store %arg8[%swap3A_77], %gather3A_76 {strides = array<i32>} : memref<1024xf32, #tpu.memory_space<vmem>>, vector<16xf32>,
      %get3A_79 = arith.constant 64 : index
      %get3A_80 = tpu.vector_load %arg6[%get3A_79] {strides = array<i32>} : memref<1024xi32, #tpu.memory_space<vmem>>, vector<16xi32>,
      %add3A_81 = arith.addi %get3A_80, %broadcast_in_dim3A : vector<16xi32>
      %gather3A_82 = tpu.vector_load_idx %arg7[%add3A_81] : memref<65536xf32, #tpu.memory_space<vmem>>[vector<16xi32>], vector<16xf32>,
      %swap3A_83 = arith.constant 64 : index
      %swap3A_84 = tpu.vector_load %arg8[%swap3A_83] {strides = array<i32>} : memref<1024xf32, #tpu.memory_space<vmem>>, vector<16xf32>,
      tpu.vector_store %arg8[%swap3A_83], %gather3A_82 {strides = array<i32>} : memref<1024xf32, #tpu.memory_space<vmem>>, vector<16xf32>,
      %get3A_85 = arith.constant 80 : index
      %get3A_86 = tpu.vector_load %arg6[%get3A_85] {strides = array<i32>} : memref<1024xi32, #tpu.memory_space<vmem>>, vector<16xi32>,
      %add3A_87 = arith.addi %get3A_86, %broadcast_in_dim3A : vector<16xi32>
      %gather3A_88 = tpu.vector_load_idx %arg7[%add3A_87] : memref<65536xf32, #tpu.memory_space<vmem>>[vector<16xi32>], vector<16xf32>,
      %swap3A_89 = arith.constant 80 : index
      %swap3A_90 = tpu.vector_load %arg8[%swap3A_89] {strides = array<i32>} : memref<1024xf32, #tpu.memory_space<vmem>>, vector<16xf32>,
      tpu.vector_store %arg8[%swap3A_89], %gather3A_88 {strides = array<i32>} : memref<1024xf32, #tpu.memory_space<vmem>>, vector<16xf32>,
      %get3A_91 = arith.constant 96 : index
      %get3A_92 = tpu.vector_load %arg6[%get3A_91] {strides = array<i32>} : memref<1024xi32, #tpu.memory_space<vmem>>, vector<16xi32>,
      %add3A_93 = arith.addi %get3A_92, %broadcast_in_dim3A : vector<16xi32>
      %gather3A_94 = tpu.vector_load_idx %arg7[%add3A_93] : memref<65536xf32, #tpu.memory_space<vmem>>[vector<16xi32>], vector<16xf32>,
      %swap3A_95 = arith.constant 96 : index
      %swap3A_96 = tpu.vector_load %arg8[%swap3A_95] {strides = array<i32>} : memref<1024xf32, #tpu.memory_space<vmem>>, vector<16xf32>,
      tpu.vector_store %arg8[%swap3A_95], %gather3A_94 {strides = array<i32>} : memref<1024xf32, #tpu.memory_space<vmem>>, vector<16xf32>,
      %get3A_97 = arith.constant 112 : index
      %get3A_98 = tpu.vector_load %arg6[%get3A_97] {strides = array<i32>} : memref<1024xi32, #tpu.memory_space<vmem>>, vector<16xi32>,
      %add3A_99 = arith.addi %get3A_98, %broadcast_in_dim3A : vector<16xi32>
      %gather3A_100 = tpu.vector_load_idx %arg7[%add3A_99] : memref<65536xf32, #tpu.memory_space<vmem>>[vector<16xi32>], vector<16xf32>,
      %swap3A_101 = arith.constant 112 : index
      %swap3A_102 = tpu.vector_load %arg8[%swap3A_101] {strides = array<i32>} : memref<1024xf32, #tpu.memory_space<vmem>>, vector<16xf32>,
      tpu.vector_store %arg8[%swap3A_101], %gather3A_100 {strides = array<i32>} : memref<1024xf32, #tpu.memory_space<vmem>>, vector<16xf32>,
      %get3A_103 = arith.constant 128 : index
      %get3A_104 = tpu.vector_load %arg6[%get3A_103] {strides = array<i32>} : memref<1024xi32, #tpu.memory_space<vmem>>, vector<16xi32>,
      %add3A_105 = arith.addi %get3A_104, %broadcast_in_dim3A : vector<16xi32>
      %gather3A_106 = tpu.vector_load_idx %arg7[%add3A_105] : memref<65536xf32, #tpu.memory_space<vmem>>[vector<16xi32>], vector<16xf32>,
      %swap3A_107 = arith.constant 128 : index
      %swap3A_108 = tpu.vector_load %arg8[%swap3A_107] {strides = array<i32>} : memref<1024xf32, #tpu.memory_space<vmem>>, vector<16xf32>,
      tpu.vector_store %arg8[%swap3A_107], %gather3A_106 {strides = array<i32>} : memref<1024xf32, #tpu.memory_space<vmem>>, vector<16xf32>,
      %get3A_109 = arith.constant 144 : index
      %get3A_110 = tpu.vector_load %arg6[%get3A_109] {strides = array<i32>} : memref<1024xi32, #tpu.memory_space<vmem>>, vector<16xi32>,
      %add3A_111 = arith.addi %get3A_110, %broadcast_in_dim3A : vector<16xi32>
      %gather3A_112 = tpu.vector_load_idx %arg7[%add3A_111] : memref<65536xf32, #tpu.memory_space<vmem>>[vector<16xi32>], vector<16xf32>,
      %swap3A_113 = arith.constant 144 : index
      %swap3A_114 = tpu.vector_load %arg8[%swap3A_113] {strides = array<i32>} : memref<1024xf32, #tpu.memory_space<vmem>>, vector<16xf32>,
      tpu.vector_store %arg8[%swap3A_113], %gather3A_112 {strides = array<i32>} : memref<1024xf32, #tpu.memory_space<vmem>>, vector<16xf32>,
      %get3A_115 = arith.constant 160 : index
      %get3A_116 = tpu.vector_load %arg6[%get3A_115] {strides = array<i32>} : memref<1024xi32, #tpu.memory_space<vmem>>, vector<16xi32>,
      %add3A_117 = arith.addi %get3A_116, %broadcast_in_dim3A : vector<16xi32>
      %gather3A_118 = tpu.vector_load_idx %arg7[%add3A_117] : memref<65536xf32, #tpu.memory_space<vmem>>[vector<16xi32>], vector<16xf32>,
      %swap3A_119 = arith.constant 160 : index
      %swap3A_120 = tpu.vector_load %arg8[%swap3A_119] {strides = array<i32>} : memref<1024xf32, #tpu.memory_space<vmem>>, vector<16xf32>,
      tpu.vector_store %arg8[%swap3A_119], %gather3A_118 {strides = array<i32>} : memref<1024xf32, #tpu.memory_space<vmem>>, vector<16xf32>,
      %get3A_121 = arith.constant 176 : index
      %get3A_122 = tpu.vector_load %arg6[%get3A_121] {strides = array<i32>} : memref<1024xi32, #tpu.memory_space<vmem>>, vector<16xi32>,
      %add3A_123 = arith.addi %get3A_122, %broadcast_in_dim3A : vector<16xi32>
      %gather3A_124 = tpu.vector_load_idx %arg7[%add3A_123] : memref<65536xf32, #tpu.memory_space<vmem>>[vector<16xi32>], vector<16xf32>,
      %swap3A_125 = arith.constant 176 : index
      %swap3A_126 = tpu.vector_load %arg8[%swap3A_125] {strides = array<i32>} : memref<1024xf32, #tpu.memory_space<vmem>>, vector<16xf32>,
      tpu.vector_store %arg8[%swap3A_125], %gather3A_124 {strides = array<i32>} : memref<1024xf32, #tpu.memory_space<vmem>>, vector<16xf32>,
      %get3A_127 = arith.constant 192 : index
      %get3A_128 = tpu.vector_load %arg6[%get3A_127] {strides = array<i32>} : memref<1024xi32, #tpu.memory_space<vmem>>, vector<16xi32>,
      %add3A_129 = arith.addi %get3A_128, %broadcast_in_dim3A : vector<16xi32>
      %gather3A_130 = tpu.vector_load_idx %arg7[%add3A_129] : memref<65536xf32, #tpu.memory_space<vmem>>[vector<16xi32>], vector<16xf32>,
      %swap3A_131 = arith.constant 192 : index
      %swap3A_132 = tpu.vector_load %arg8[%swap3A_131] {strides = array<i32>} : memref<1024xf32, #tpu.memory_space<vmem>>, vector<16xf32>,
      tpu.vector_store %arg8[%swap3A_131], %gather3A_130 {strides = array<i32>} : memref<1024xf32, #tpu.memory_space<vmem>>, vector<16xf32>,
      %get3A_133 = arith.constant 208 : index
      %get3A_134 = tpu.vector_load %arg6[%get3A_133] {strides = array<i32>} : memref<1024xi32, #tpu.memory_space<vmem>>, vector<16xi32>,
      %add3A_135 = arith.addi %get3A_134, %broadcast_in_dim3A : vector<16xi32>
      %gather3A_136 = tpu.vector_load_idx %arg7[%add3A_135] : memref<65536xf32, #tpu.memory_space<vmem>>[vector<16xi32>], vector<16xf32>,
      %swap3A_137 = arith.constant 208 : index
      %swap3A_138 = tpu.vector_load %arg8[%swap3A_137] {strides = array<i32>} : memref<1024xf32, #tpu.memory_space<vmem>>, vector<16xf32>,
      tpu.vector_store %arg8[%swap3A_137], %gather3A_136 {strides = array<i32>} : memref<1024xf32, #tpu.memory_space<vmem>>, vector<16xf32>,
      %get3A_139 = arith.constant 224 : index
      %get3A_140 = tpu.vector_load %arg6[%get3A_139] {strides = array<i32>} : memref<1024xi32, #tpu.memory_space<vmem>>, vector<16xi32>,
      %add3A_141 = arith.addi %get3A_140, %broadcast_in_dim3A : vector<16xi32>
      %gather3A_142 = tpu.vector_load_idx %arg7[%add3A_141] : memref<65536xf32, #tpu.memory_space<vmem>>[vector<16xi32>], vector<16xf32>,
      %swap3A_143 = arith.constant 224 : index
      %swap3A_144 = tpu.vector_load %arg8[%swap3A_143] {strides = array<i32>} : memref<1024xf32, #tpu.memory_space<vmem>>, vector<16xf32>,
      tpu.vector_store %arg8[%swap3A_143], %gather3A_142 {strides = array<i32>} : memref<1024xf32, #tpu.memory_space<vmem>>, vector<16xf32>,
      %get3A_145 = arith.constant 240 : index
      %get3A_146 = tpu.vector_load %arg6[%get3A_145] {strides = array<i32>} : memref<1024xi32, #tpu.memory_space<vmem>>, vector<16xi32>,
      %add3A_147 = arith.addi %get3A_146, %broadcast_in_dim3A : vector<16xi32>
      %gather3A_148 = tpu.vector_load_idx %arg7[%add3A_147] : memref<65536xf32, #tpu.memory_space<vmem>>[vector<16xi32>], vector<16xf32>,
      %swap3A_149 = arith.constant 240 : index
      %swap3A_150 = tpu.vector_load %arg8[%swap3A_149] {strides = array<i32>} : memref<1024xf32, #tpu.memory_space<vmem>>, vector<16xf32>,
      tpu.vector_store %arg8[%swap3A_149], %gather3A_148 {strides = array<i32>} : memref<1024xf32, #tpu.memory_space<vmem>>, vector<16xf32>,
      %get3A_151 = arith.constant 256 : index
      %get3A_152 = tpu.vector_load %arg6[%get3A_151] {strides = array<i32>} : memref<1024xi32, #tpu.memory_space<vmem>>, vector<16xi32>,
      %add3A_153 = arith.addi %get3A_152, %broadcast_in_dim3A : vector<16xi32>
      %gather3A_154 = tpu.vector_load_idx %arg7[%add3A_153] : memref<65536xf32, #tpu.memory_space<vmem>>[vector<16xi32>], vector<16xf32>,
      %swap3A_155 = arith.constant 256 : index
      %swap3A_156 = tpu.vector_load %arg8[%swap3A_155] {strides = array<i32>} : memref<1024xf32, #tpu.memory_space<vmem>>, vector<16xf32>,
      tpu.vector_store %arg8[%swap3A_155], %gather3A_154 {strides = array<i32>} : memref<1024xf32, #tpu.memory_space<vmem>>, vector<16xf32>,
      %get3A_157 = arith.constant 272 : index
      %get3A_158 = tpu.vector_load %arg6[%get3A_157] {strides = array<i32>} : memref<1024xi32, #tpu.memory_space<vmem>>, vector<16xi32>,
      %add3A_159 = arith.addi %get3A_158, %broadcast_in_dim3A : vector<16xi32>
      %gather3A_160 = tpu.vector_load_idx %arg7[%add3A_159] : memref<65536xf32, #tpu.memory_space<vmem>>[vector<16xi32>], vector<16xf32>,
      %swap3A_161 = arith.constant 272 : index
      %swap3A_162 = tpu.vector_load %arg8[%swap3A_161] {strides = array<i32>} : memref<1024xf32, #tpu.memory_space<vmem>>, vector<16xf32>,
      tpu.vector_store %arg8[%swap3A_161], %gather3A_160 {strides = array<i32>} : memref<1024xf32, #tpu.memory_space<vmem>>, vector<16xf32>,
      %get3A_163 = arith.constant 288 : index
      %get3A_164 = tpu.vector_load %arg6[%get3A_163] {strides = array<i32>} : memref<1024xi32, #tpu.memory_space<vmem>>, vector<16xi32>,
      %add3A_165 = arith.addi %get3A_164, %broadcast_in_dim3A : vector<16xi32>
      %gather3A_166 = tpu.vector_load_idx %arg7[%add3A_165] : memref<65536xf32, #tpu.memory_space<vmem>>[vector<16xi32>], vector<16xf32>,
      %swap3A_167 = arith.constant 288 : index
      %swap3A_168 = tpu.vector_load %arg8[%swap3A_167] {strides = array<i32>} : memref<1024xf32, #tpu.memory_space<vmem>>, vector<16xf32>,
      tpu.vector_store %arg8[%swap3A_167], %gather3A_166 {strides = array<i32>} : memref<1024xf32, #tpu.memory_space<vmem>>, vector<16xf32>,
      %get3A_169 = arith.constant 304 : index
      %get3A_170 = tpu.vector_load %arg6[%get3A_169] {strides = array<i32>} : memref<1024xi32, #tpu.memory_space<vmem>>, vector<16xi32>,
      %add3A_171 = arith.addi %get3A_170, %broadcast_in_dim3A : vector<16xi32>
      %gather3A_172 = tpu.vector_load_idx %arg7[%add3A_171] : memref<65536xf32, #tpu.memory_space<vmem>>[vector<16xi32>], vector<16xf32>,
      %swap3A_173 = arith.constant 304 : index
      %swap3A_174 = tpu.vector_load %arg8[%swap3A_173] {strides = array<i32>} : memref<1024xf32, #tpu.memory_space<vmem>>, vector<16xf32>,
      tpu.vector_store %arg8[%swap3A_173], %gather3A_172 {strides = array<i32>} : memref<1024xf32, #tpu.memory_space<vmem>>, vector<16xf32>,
      %get3A_175 = arith.constant 320 : index
      %get3A_176 = tpu.vector_load %arg6[%get3A_175] {strides = array<i32>} : memref<1024xi32, #tpu.memory_space<vmem>>, vector<16xi32>,
      %add3A_177 = arith.addi %get3A_176, %broadcast_in_dim3A : vector<16xi32>
      %gather3A_178 = tpu.vector_load_idx %arg7[%add3A_177] : memref<65536xf32, #tpu.memory_space<vmem>>[vector<16xi32>], vector<16xf32>,
      %swap3A_179 = arith.constant 320 : index
      %swap3A_180 = tpu.vector_load %arg8[%swap3A_179] {strides = array<i32>} : memref<1024xf32, #tpu.memory_space<vmem>>, vector<16xf32>,
      tpu.vector_store %arg8[%swap3A_179], %gather3A_178 {strides = array<i32>} : memref<1024xf32, #tpu.memory_space<vmem>>, vector<16xf32>,
      %get3A_181 = arith.constant 336 : index
      %get3A_182 = tpu.vector_load %arg6[%get3A_181] {strides = array<i32>} : memref<1024xi32, #tpu.memory_space<vmem>>, vector<16xi32>,
      %add3A_183 = arith.addi %get3A_182, %broadcast_in_dim3A : vector<16xi32>
      %gather3A_184 = tpu.vector_load_idx %arg7[%add3A_183] : memref<65536xf32, #tpu.memory_space<vmem>>[vector<16xi32>], vector<16xf32>,
      %swap3A_185 = arith.constant 336 : index
      %swap3A_186 = tpu.vector_load %arg8[%swap3A_185] {strides = array<i32>} : memref<1024xf32, #tpu.memory_space<vmem>>, vector<16xf32>,
      tpu.vector_store %arg8[%swap3A_185], %gather3A_184 {strides = array<i32>} : memref<1024xf32, #tpu.memory_space<vmem>>, vector<16xf32>,
      %get3A_187 = arith.constant 352 : index
      %get3A_188 = tpu.vector_load %arg6[%get3A_187] {strides = array<i32>} : memref<1024xi32, #tpu.memory_space<vmem>>, vector<16xi32>,
      %add3A_189 = arith.addi %get3A_188, %broadcast_in_dim3A : vector<16xi32>
      %gather3A_190 = tpu.vector_load_idx %arg7[%add3A_189] : memref<65536xf32, #tpu.memory_space<vmem>>[vector<16xi32>], vector<16xf32>,
      %swap3A_191 = arith.constant 352 : index
      %swap3A_192 = tpu.vector_load %arg8[%swap3A_191] {strides = array<i32>} : memref<1024xf32, #tpu.memory_space<vmem>>, vector<16xf32>,
      tpu.vector_store %arg8[%swap3A_191], %gather3A_190 {strides = array<i32>} : memref<1024xf32, #tpu.memory_space<vmem>>, vector<16xf32>,
      %get3A_193 = arith.constant 368 : index
      %get3A_194 = tpu.vector_load %arg6[%get3A_193] {strides = array<i32>} : memref<1024xi32, #tpu.memory_space<vmem>>, vector<16xi32>,
      %add3A_195 = arith.addi %get3A_194, %broadcast_in_dim3A : vector<16xi32>
      %gather3A_196 = tpu.vector_load_idx %arg7[%add3A_195] : memref<65536xf32, #tpu.memory_space<vmem>>[vector<16xi32>], vector<16xf32>,
      %swap3A_197 = arith.constant 368 : index
      %swap3A_198 = tpu.vector_load %arg8[%swap3A_197] {strides = array<i32>} : memref<1024xf32, #tpu.memory_space<vmem>>, vector<16xf32>,
      tpu.vector_store %arg8[%swap3A_197], %gather3A_196 {strides = array<i32>} : memref<1024xf32, #tpu.memory_space<vmem>>, vector<16xf32>,
      %get3A_199 = arith.constant 384 : index
      %get3A_200 = tpu.vector_load %arg6[%get3A_199] {strides = array<i32>} : memref<1024xi32, #tpu.memory_space<vmem>>, vector<16xi32>,
      %add3A_201 = arith.addi %get3A_200, %broadcast_in_dim3A : vector<16xi32>
      %gather3A_202 = tpu.vector_load_idx %arg7[%add3A_201] : memref<65536xf32, #tpu.memory_space<vmem>>[vector<16xi32>], vector<16xf32>,
      %swap3A_203 = arith.constant 384 : index
      %swap3A_204 = tpu.vector_load %arg8[%swap3A_203] {strides = array<i32>} : memref<1024xf32, #tpu.memory_space<vmem>>, vector<16xf32>,
      tpu.vector_store %arg8[%swap3A_203], %gather3A_202 {strides = array<i32>} : memref<1024xf32, #tpu.memory_space<vmem>>, vector<16xf32>,
      %get3A_205 = arith.constant 400 : index
      %get3A_206 = tpu.vector_load %arg6[%get3A_205] {strides = array<i32>} : memref<1024xi32, #tpu.memory_space<vmem>>, vector<16xi32>,
      %add3A_207 = arith.addi %get3A_206, %broadcast_in_dim3A : vector<16xi32>
      %gather3A_208 = tpu.vector_load_idx %arg7[%add3A_207] : memref<65536xf32, #tpu.memory_space<vmem>>[vector<16xi32>], vector<16xf32>,
      %swap3A_209 = arith.constant 400 : index
      %swap3A_210 = tpu.vector_load %arg8[%swap3A_209] {strides = array<i32>} : memref<1024xf32, #tpu.memory_space<vmem>>, vector<16xf32>,
      tpu.vector_store %arg8[%swap3A_209], %gather3A_208 {strides = array<i32>} : memref<1024xf32, #tpu.memory_space<vmem>>, vector<16xf32>,
      %get3A_211 = arith.constant 416 : index
      %get3A_212 = tpu.vector_load %arg6[%get3A_211] {strides = array<i32>} : memref<1024xi32, #tpu.memory_space<vmem>>, vector<16xi32>,
      %add3A_213 = arith.addi %get3A_212, %broadcast_in_dim3A : vector<16xi32>
      %gather3A_214 = tpu.vector_load_idx %arg7[%add3A_213] : memref<65536xf32, #tpu.memory_space<vmem>>[vector<16xi32>], vector<16xf32>,
      %swap3A_215 = arith.constant 416 : index
      %swap3A_216 = tpu.vector_load %arg8[%swap3A_215] {strides = array<i32>} : memref<1024xf32, #tpu.memory_space<vmem>>, vector<16xf32>,
      tpu.vector_store %arg8[%swap3A_215], %gather3A_214 {strides = array<i32>} : memref<1024xf32, #tpu.memory_space<vmem>>, vector<16xf32>,
      %get3A_217 = arith.constant 432 : index
      %get3A_218 = tpu.vector_load %arg6[%get3A_217] {strides = array<i32>} : memref<1024xi32, #tpu.memory_space<vmem>>, vector<16xi32>,
      %add3A_219 = arith.addi %get3A_218, %broadcast_in_dim3A : vector<16xi32>
      %gather3A_220 = tpu.vector_load_idx %arg7[%add3A_219] : memref<65536xf32, #tpu.memory_space<vmem>>[vector<16xi32>], vector<16xf32>,
      %swap3A_221 = arith.constant 432 : index
      %swap3A_222 = tpu.vector_load %arg8[%swap3A_221] {strides = array<i32>} : memref<1024xf32, #tpu.memory_space<vmem>>, vector<16xf32>,
      tpu.vector_store %arg8[%swap3A_221], %gather3A_220 {strides = array<i32>} : memref<1024xf32, #tpu.memory_space<vmem>>, vector<16xf32>,
      %get3A_223 = arith.constant 448 : index
      %get3A_224 = tpu.vector_load %arg6[%get3A_223] {strides = array<i32>} : memref<1024xi32, #tpu.memory_space<vmem>>, vector<16xi32>,
      %add3A_225 = arith.addi %get3A_224, %broadcast_in_dim3A : vector<16xi32>
      %gather3A_226 = tpu.vector_load_idx %arg7[%add3A_225] : memref<65536xf32, #tpu.memory_space<vmem>>[vector<16xi32>], vector<16xf32>,
      %swap3A_227 = arith.constant 448 : index
      %swap3A_228 = tpu.vector_load %arg8[%swap3A_227] {strides = array<i32>} : memref<1024xf32, #tpu.memory_space<vmem>>, vector<16xf32>,
      tpu.vector_store %arg8[%swap3A_227], %gather3A_226 {strides = array<i32>} : memref<1024xf32, #tpu.memory_space<vmem>>, vector<16xf32>,
      %get3A_229 = arith.constant 464 : index
      %get3A_230 = tpu.vector_load %arg6[%get3A_229] {strides = array<i32>} : memref<1024xi32, #tpu.memory_space<vmem>>, vector<16xi32>,
      %add3A_231 = arith.addi %get3A_230, %broadcast_in_dim3A : vector<16xi32>
      %gather3A_232 = tpu.vector_load_idx %arg7[%add3A_231] : memref<65536xf32, #tpu.memory_space<vmem>>[vector<16xi32>], vector<16xf32>,
      %swap3A_233 = arith.constant 464 : index
      %swap3A_234 = tpu.vector_load %arg8[%swap3A_233] {strides = array<i32>} : memref<1024xf32, #tpu.memory_space<vmem>>, vector<16xf32>,
      tpu.vector_store %arg8[%swap3A_233], %gather3A_232 {strides = array<i32>} : memref<1024xf32, #tpu.memory_space<vmem>>, vector<16xf32>,
      %get3A_235 = arith.constant 480 : index
      %get3A_236 = tpu.vector_load %arg6[%get3A_235] {strides = array<i32>} : memref<1024xi32, #tpu.memory_space<vmem>>, vector<16xi32>,
      %add3A_237 = arith.addi %get3A_236, %broadcast_in_dim3A : vector<16xi32>
      %gather3A_238 = tpu.vector_load_idx %arg7[%add3A_237] : memref<65536xf32, #tpu.memory_space<vmem>>[vector<16xi32>], vector<16xf32>,
      %swap3A_239 = arith.constant 480 : index
      %swap3A_240 = tpu.vector_load %arg8[%swap3A_239] {strides = array<i32>} : memref<1024xf32, #tpu.memory_space<vmem>>, vector<16xf32>,
      tpu.vector_store %arg8[%swap3A_239], %gather3A_238 {strides = array<i32>} : memref<1024xf32, #tpu.memory_space<vmem>>, vector<16xf32>,
      %get3A_241 = arith.constant 496 : index
      %get3A_242 = tpu.vector_load %arg6[%get3A_241] {strides = array<i32>} : memref<1024xi32, #tpu.memory_space<vmem>>, vector<16xi32>,
      %add3A_243 = arith.addi %get3A_242, %broadcast_in_dim3A : vector<16xi32>
      %gather3A_244 = tpu.vector_load_idx %arg7[%add3A_243] : memref<65536xf32, #tpu.memory_space<vmem>>[vector<16xi32>], vector<16xf32>,
      %swap3A_245 = arith.constant 496 : index
      %swap3A_246 = tpu.vector_load %arg8[%swap3A_245] {strides = array<i32>} : memref<1024xf32, #tpu.memory_space<vmem>>, vector<16xf32>,
      tpu.vector_store %arg8[%swap3A_245], %gather3A_244 {strides = array<i32>} : memref<1024xf32, #tpu.memory_space<vmem>>, vector<16xf32>,
      %get3A_247 = arith.constant 512 : index
      %get3A_248 = tpu.vector_load %arg6[%get3A_247] {strides = array<i32>} : memref<1024xi32, #tpu.memory_space<vmem>>, vector<16xi32>,
      %add3A_249 = arith.addi %get3A_248, %broadcast_in_dim3A : vector<16xi32>
      %gather3A_250 = tpu.vector_load_idx %arg7[%add3A_249] : memref<65536xf32, #tpu.memory_space<vmem>>[vector<16xi32>], vector<16xf32>,
      %swap3A_251 = arith.constant 512 : index
      %swap3A_252 = tpu.vector_load %arg8[%swap3A_251] {strides = array<i32>} : memref<1024xf32, #tpu.memory_space<vmem>>, vector<16xf32>,
      tpu.vector_store %arg8[%swap3A_251], %gather3A_250 {strides = array<i32>} : memref<1024xf32, #tpu.memory_space<vmem>>, vector<16xf32>,
      %get3A_253 = arith.constant 528 : index
      %get3A_254 = tpu.vector_load %arg6[%get3A_253] {strides = array<i32>} : memref<1024xi32, #tpu.memory_space<vmem>>, vector<16xi32>,
      %add3A_255 = arith.addi %get3A_254, %broadcast_in_dim3A : vector<16xi32>
      %gather3A_256 = tpu.vector_load_idx %arg7[%add3A_255] : memref<65536xf32, #tpu.memory_space<vmem>>[vector<16xi32>], vector<16xf32>,
      %swap3A_257 = arith.constant 528 : index
      %swap3A_258 = tpu.vector_load %arg8[%swap3A_257] {strides = array<i32>} : memref<1024xf32, #tpu.memory_space<vmem>>, vector<16xf32>,
      tpu.vector_store %arg8[%swap3A_257], %gather3A_256 {strides = array<i32>} : memref<1024xf32, #tpu.memory_space<vmem>>, vector<16xf32>,
      %get3A_259 = arith.constant 544 : index
      %get3A_260 = tpu.vector_load %arg6[%get3A_259] {strides = array<i32>} : memref<1024xi32, #tpu.memory_space<vmem>>, vector<16xi32>,
      %add3A_261 = arith.addi %get3A_260, %broadcast_in_dim3A : vector<16xi32>
      %gather3A_262 = tpu.vector_load_idx %arg7[%add3A_261] : memref<65536xf32, #tpu.memory_space<vmem>>[vector<16xi32>], vector<16xf32>,
      %swap3A_263 = arith.constant 544 : index
      %swap3A_264 = tpu.vector_load %arg8[%swap3A_263] {strides = array<i32>} : memref<1024xf32, #tpu.memory_space<vmem>>, vector<16xf32>,
      tpu.vector_store %arg8[%swap3A_263], %gather3A_262 {strides = array<i32>} : memref<1024xf32, #tpu.memory_space<vmem>>, vector<16xf32>,
      %get3A_265 = arith.constant 560 : index
      %get3A_266 = tpu.vector_load %arg6[%get3A_265] {strides = array<i32>} : memref<1024xi32, #tpu.memory_space<vmem>>, vector<16xi32>,
      %add3A_267 = arith.addi %get3A_266, %broadcast_in_dim3A : vector<16xi32>
      %gather3A_268 = tpu.vector_load_idx %arg7[%add3A_267] : memref<65536xf32, #tpu.memory_space<vmem>>[vector<16xi32>], vector<16xf32>,
      %swap3A_269 = arith.constant 560 : index
      %swap3A_270 = tpu.vector_load %arg8[%swap3A_269] {strides = array<i32>} : memref<1024xf32, #tpu.memory_space<vmem>>, vector<16xf32>,
      tpu.vector_store %arg8[%swap3A_269], %gather3A_268 {strides = array<i32>} : memref<1024xf32, #tpu.memory_space<vmem>>, vector<16xf32>,
      %get3A_271 = arith.constant 576 : index
      %get3A_272 = tpu.vector_load %arg6[%get3A_271] {strides = array<i32>} : memref<1024xi32, #tpu.memory_space<vmem>>, vector<16xi32>,
      %add3A_273 = arith.addi %get3A_272, %broadcast_in_dim3A : vector<16xi32>
      %gather3A_274 = tpu.vector_load_idx %arg7[%add3A_273] : memref<65536xf32, #tpu.memory_space<vmem>>[vector<16xi32>], vector<16xf32>,
      %swap3A_275 = arith.constant 576 : index
      %swap3A_276 = tpu.vector_load %arg8[%swap3A_275] {strides = array<i32>} : memref<1024xf32, #tpu.memory_space<vmem>>, vector<16xf32>,
      tpu.vector_store %arg8[%swap3A_275], %gather3A_274 {strides = array<i32>} : memref<1024xf32, #tpu.memory_space<vmem>>, vector<16xf32>,
      %get3A_277 = arith.constant 592 : index
      %get3A_278 = tpu.vector_load %arg6[%get3A_277] {strides = array<i32>} : memref<1024xi32, #tpu.memory_space<vmem>>, vector<16xi32>,
      %add3A_279 = arith.addi %get3A_278, %broadcast_in_dim3A : vector<16xi32>
      %gather3A_280 = tpu.vector_load_idx %arg7[%add3A_279] : memref<65536xf32, #tpu.memory_space<vmem>>[vector<16xi32>], vector<16xf32>,
      %swap3A_281 = arith.constant 592 : index
      %swap3A_282 = tpu.vector_load %arg8[%swap3A_281] {strides = array<i32>} : memref<1024xf32, #tpu.memory_space<vmem>>, vector<16xf32>,
      tpu.vector_store %arg8[%swap3A_281], %gather3A_280 {strides = array<i32>} : memref<1024xf32, #tpu.memory_space<vmem>>, vector<16xf32>,
      %get3A_283 = arith.constant 608 : index
      %get3A_284 = tpu.vector_load %arg6[%get3A_283] {strides = array<i32>} : memref<1024xi32, #tpu.memory_space<vmem>>, vector<16xi32>,
      %add3A_285 = arith.addi %get3A_284, %broadcast_in_dim3A : vector<16xi32>
      %gather3A_286 = tpu.vector_load_idx %arg7[%add3A_285] : memref<65536xf32, #tpu.memory_space<vmem>>[vector<16xi32>], vector<16xf32>,
      %swap3A_287 = arith.constant 608 : index
      %swap3A_288 = tpu.vector_load %arg8[%swap3A_287] {strides = array<i32>} : memref<1024xf32, #tpu.memory_space<vmem>>, vector<16xf32>,
      tpu.vector_store %arg8[%swap3A_287], %gather3A_286 {strides = array<i32>} : memref<1024xf32, #tpu.memory_space<vmem>>, vector<16xf32>,
      %get3A_289 = arith.constant 624 : index
      %get3A_290 = tpu.vector_load %arg6[%get3A_289] {strides = array<i32>} : memref<1024xi32, #tpu.memory_space<vmem>>, vector<16xi32>,
      %add3A_291 = arith.addi %get3A_290, %broadcast_in_dim3A : vector<16xi32>
      %gather3A_292 = tpu.vector_load_idx %arg7[%add3A_291] : memref<65536xf32, #tpu.memory_space<vmem>>[vector<16xi32>], vector<16xf32>,
      %swap3A_293 = arith.constant 624 : index
      %swap3A_294 = tpu.vector_load %arg8[%swap3A_293] {strides = array<i32>} : memref<1024xf32, #tpu.memory_space<vmem>>, vector<16xf32>,
      tpu.vector_store %arg8[%swap3A_293], %gather3A_292 {strides = array<i32>} : memref<1024xf32, #tpu.memory_space<vmem>>, vector<16xf32>,
      %get3A_295 = arith.constant 640 : index
      %get3A_296 = tpu.vector_load %arg6[%get3A_295] {strides = array<i32>} : memref<1024xi32, #tpu.memory_space<vmem>>, vector<16xi32>,
      %add3A_297 = arith.addi %get3A_296, %broadcast_in_dim3A : vector<16xi32>
      %gather3A_298 = tpu.vector_load_idx %arg7[%add3A_297] : memref<65536xf32, #tpu.memory_space<vmem>>[vector<16xi32>], vector<16xf32>,
      %swap3A_299 = arith.constant 640 : index
      %swap3A_300 = tpu.vector_load %arg8[%swap3A_299] {strides = array<i32>} : memref<1024xf32, #tpu.memory_space<vmem>>, vector<16xf32>,
      tpu.vector_store %arg8[%swap3A_299], %gather3A_298 {strides = array<i32>} : memref<1024xf32, #tpu.memory_space<vmem>>, vector<16xf32>,
      %get3A_301 = arith.constant 656 : index
      %get3A_302 = tpu.vector_load %arg6[%get3A_301] {strides = array<i32>} : memref<1024xi32, #tpu.memory_space<vmem>>, vector<16xi32>,
      %add3A_303 = arith.addi %get3A_302, %broadcast_in_dim3A : vector<16xi32>
      %gather3A_304 = tpu.vector_load_idx %arg7[%add3A_303] : memref<65536xf32, #tpu.memory_space<vmem>>[vector<16xi32>], vector<16xf32>,
      %swap3A_305 = arith.constant 656 : index
      %swap3A_306 = tpu.vector_load %arg8[%swap3A_305] {strides = array<i32>} : memref<1024xf32, #tpu.memory_space<vmem>>, vector<16xf32>,
      tpu.vector_store %arg8[%swap3A_305], %gather3A_304 {strides = array<i32>} : memref<1024xf32, #tpu.memory_space<vmem>>, vector<16xf32>,
      %get3A_307 = arith.constant 672 : index
      %get3A_308 = tpu.vector_load %arg6[%get3A_307] {strides = array<i32>} : memref<1024xi32, #tpu.memory_space<vmem>>, vector<16xi32>,
      %add3A_309 = arith.addi %get3A_308, %broadcast_in_dim3A : vector<16xi32>
      %gather3A_310 = tpu.vector_load_idx %arg7[%add3A_309] : memref<65536xf32, #tpu.memory_space<vmem>>[vector<16xi32>], vector<16xf32>,
      %swap3A_311 = arith.constant 672 : index
      %swap3A_312 = tpu.vector_load %arg8[%swap3A_311] {strides = array<i32>} : memref<1024xf32, #tpu.memory_space<vmem>>, vector<16xf32>,
      tpu.vector_store %arg8[%swap3A_311], %gather3A_310 {strides = array<i32>} : memref<1024xf32, #tpu.memory_space<vmem>>, vector<16xf32>,
      %get3A_313 = arith.constant 688 : index
      %get3A_314 = tpu.vector_load %arg6[%get3A_313] {strides = array<i32>} : memref<1024xi32, #tpu.memory_space<vmem>>, vector<16xi32>,
      %add3A_315 = arith.addi %get3A_314, %broadcast_in_dim3A : vector<16xi32>
      %gather3A_316 = tpu.vector_load_idx %arg7[%add3A_315] : memref<65536xf32, #tpu.memory_space<vmem>>[vector<16xi32>], vector<16xf32>,
      %swap3A_317 = arith.constant 688 : index
      %swap3A_318 = tpu.vector_load %arg8[%swap3A_317] {strides = array<i32>} : memref<1024xf32, #tpu.memory_space<vmem>>, vector<16xf32>,
      tpu.vector_store %arg8[%swap3A_317], %gather3A_316 {strides = array<i32>} : memref<1024xf32, #tpu.memory_space<vmem>>, vector<16xf32>,
      %get3A_319 = arith.constant 704 : index
      %get3A_320 = tpu.vector_load %arg6[%get3A_319] {strides = array<i32>} : memref<1024xi32, #tpu.memory_space<vmem>>, vector<16xi32>,
      %add3A_321 = arith.addi %get3A_320, %broadcast_in_dim3A : vector<16xi32>
      %gather3A_322 = tpu.vector_load_idx %arg7[%add3A_321] : memref<65536xf32, #tpu.memory_space<vmem>>[vector<16xi32>], vector<16xf32>,
      %swap3A_323 = arith.constant 704 : index
      %swap3A_324 = tpu.vector_load %arg8[%swap3A_323] {strides = array<i32>} : memref<1024xf32, #tpu.memory_space<vmem>>, vector<16xf32>,
      tpu.vector_store %arg8[%swap3A_323], %gather3A_322 {strides = array<i32>} : memref<1024xf32, #tpu.memory_space<vmem>>, vector<16xf32>,
      %get3A_325 = arith.constant 720 : index
      %get3A_326 = tpu.vector_load %arg6[%get3A_325] {strides = array<i32>} : memref<1024xi32, #tpu.memory_space<vmem>>, vector<16xi32>,
      %add3A_327 = arith.addi %get3A_326, %broadcast_in_dim3A : vector<16xi32>
      %gather3A_328 = tpu.vector_load_idx %arg7[%add3A_327] : memref<65536xf32, #tpu.memory_space<vmem>>[vector<16xi32>], vector<16xf32>,
      %swap3A_329 = arith.constant 720 : index
      %swap3A_330 = tpu.vector_load %arg8[%swap3A_329] {strides = array<i32>} : memref<1024xf32, #tpu.memory_space<vmem>>, vector<16xf32>,
      tpu.vector_store %arg8[%swap3A_329], %gather3A_328 {strides = array<i32>} : memref<1024xf32, #tpu.memory_space<vmem>>, vector<16xf32>,
      %get3A_331 = arith.constant 736 : index
      %get3A_332 = tpu.vector_load %arg6[%get3A_331] {strides = array<i32>} : memref<1024xi32, #tpu.memory_space<vmem>>, vector<16xi32>,
      %add3A_333 = arith.addi %get3A_332, %broadcast_in_dim3A : vector<16xi32>
      %gather3A_334 = tpu.vector_load_idx %arg7[%add3A_333] : memref<65536xf32, #tpu.memory_space<vmem>>[vector<16xi32>], vector<16xf32>,
      %swap3A_335 = arith.constant 736 : index
      %swap3A_336 = tpu.vector_load %arg8[%swap3A_335] {strides = array<i32>} : memref<1024xf32, #tpu.memory_space<vmem>>, vector<16xf32>,
      tpu.vector_store %arg8[%swap3A_335], %gather3A_334 {strides = array<i32>} : memref<1024xf32, #tpu.memory_space<vmem>>, vector<16xf32>,
      %get3A_337 = arith.constant 752 : index
      %get3A_338 = tpu.vector_load %arg6[%get3A_337] {strides = array<i32>} : memref<1024xi32, #tpu.memory_space<vmem>>, vector<16xi32>,
      %add3A_339 = arith.addi %get3A_338, %broadcast_in_dim3A : vector<16xi32>
      %gather3A_340 = tpu.vector_load_idx %arg7[%add3A_339] : memref<65536xf32, #tpu.memory_space<vmem>>[vector<16xi32>], vector<16xf32>,
      %swap3A_341 = arith.constant 752 : index
      %swap3A_342 = tpu.vector_load %arg8[%swap3A_341] {strides = array<i32>} : memref<1024xf32, #tpu.memory_space<vmem>>, vector<16xf32>,
      tpu.vector_store %arg8[%swap3A_341], %gather3A_340 {strides = array<i32>} : memref<1024xf32, #tpu.memory_space<vmem>>, vector<16xf32>,
      %get3A_343 = arith.constant 768 : index
      %get3A_344 = tpu.vector_load %arg6[%get3A_343] {strides = array<i32>} : memref<1024xi32, #tpu.memory_space<vmem>>, vector<16xi32>,
      %add3A_345 = arith.addi %get3A_344, %broadcast_in_dim3A : vector<16xi32>
      %gather3A_346 = tpu.vector_load_idx %arg7[%add3A_345] : memref<65536xf32, #tpu.memory_space<vmem>>[vector<16xi32>], vector<16xf32>,
      %swap3A_347 = arith.constant 768 : index
      %swap3A_348 = tpu.vector_load %arg8[%swap3A_347] {strides = array<i32>} : memref<1024xf32, #tpu.memory_space<vmem>>, vector<16xf32>,
      tpu.vector_store %arg8[%swap3A_347], %gather3A_346 {strides = array<i32>} : memref<1024xf32, #tpu.memory_space<vmem>>, vector<16xf32>,
      %get3A_349 = arith.constant 784 : index
      %get3A_350 = tpu.vector_load %arg6[%get3A_349] {strides = array<i32>} : memref<1024xi32, #tpu.memory_space<vmem>>, vector<16xi32>,
      %add3A_351 = arith.addi %get3A_350, %broadcast_in_dim3A : vector<16xi32>
      %gather3A_352 = tpu.vector_load_idx %arg7[%add3A_351] : memref<65536xf32, #tpu.memory_space<vmem>>[vector<16xi32>], vector<16xf32>,
      %swap3A_353 = arith.constant 784 : index
      %swap3A_354 = tpu.vector_load %arg8[%swap3A_353] {strides = array<i32>} : memref<1024xf32, #tpu.memory_space<vmem>>, vector<16xf32>,
      tpu.vector_store %arg8[%swap3A_353], %gather3A_352 {strides = array<i32>} : memref<1024xf32, #tpu.memory_space<vmem>>, vector<16xf32>,
      %get3A_355 = arith.constant 800 : index
      %get3A_356 = tpu.vector_load %arg6[%get3A_355] {strides = array<i32>} : memref<1024xi32, #tpu.memory_space<vmem>>, vector<16xi32>,
      %add3A_357 = arith.addi %get3A_356, %broadcast_in_dim3A : vector<16xi32>
      %gather3A_358 = tpu.vector_load_idx %arg7[%add3A_357] : memref<65536xf32, #tpu.memory_space<vmem>>[vector<16xi32>], vector<16xf32>,
      %swap3A_359 = arith.constant 800 : index
      %swap3A_360 = tpu.vector_load %arg8[%swap3A_359] {strides = array<i32>} : memref<1024xf32, #tpu.memory_space<vmem>>, vector<16xf32>,
      tpu.vector_store %arg8[%swap3A_359], %gather3A_358 {strides = array<i32>} : memref<1024xf32, #tpu.memory_space<vmem>>, vector<16xf32>,
      %get3A_361 = arith.constant 816 : index
      %get3A_362 = tpu.vector_load %arg6[%get3A_361] {strides = array<i32>} : memref<1024xi32, #tpu.memory_space<vmem>>, vector<16xi32>,
      %add3A_363 = arith.addi %get3A_362, %broadcast_in_dim3A : vector<16xi32>
      %gather3A_364 = tpu.vector_load_idx %arg7[%add3A_363] : memref<65536xf32, #tpu.memory_space<vmem>>[vector<16xi32>], vector<16xf32>,
      %swap3A_365 = arith.constant 816 : index
      %swap3A_366 = tpu.vector_load %arg8[%swap3A_365] {strides = array<i32>} : memref<1024xf32, #tpu.memory_space<vmem>>, vector<16xf32>,
      tpu.vector_store %arg8[%swap3A_365], %gather3A_364 {strides = array<i32>} : memref<1024xf32, #tpu.memory_space<vmem>>, vector<16xf32>,
      %get3A_367 = arith.constant 832 : index
      %get3A_368 = tpu.vector_load %arg6[%get3A_367] {strides = array<i32>} : memref<1024xi32, #tpu.memory_space<vmem>>, vector<16xi32>,
      %add3A_369 = arith.addi %get3A_368, %broadcast_in_dim3A : vector<16xi32>
      %gather3A_370 = tpu.vector_load_idx %arg7[%add3A_369] : memref<65536xf32, #tpu.memory_space<vmem>>[vector<16xi32>], vector<16xf32>,
      %swap3A_371 = arith.constant 832 : index
      %swap3A_372 = tpu.vector_load %arg8[%swap3A_371] {strides = array<i32>} : memref<1024xf32, #tpu.memory_space<vmem>>, vector<16xf32>,
      tpu.vector_store %arg8[%swap3A_371], %gather3A_370 {strides = array<i32>} : memref<1024xf32, #tpu.memory_space<vmem>>, vector<16xf32>,
      %get3A_373 = arith.constant 848 : index
      %get3A_374 = tpu.vector_load %arg6[%get3A_373] {strides = array<i32>} : memref<1024xi32, #tpu.memory_space<vmem>>, vector<16xi32>,
      %add3A_375 = arith.addi %get3A_374, %broadcast_in_dim3A : vector<16xi32>
      %gather3A_376 = tpu.vector_load_idx %arg7[%add3A_375] : memref<65536xf32, #tpu.memory_space<vmem>>[vector<16xi32>], vector<16xf32>,
      %swap3A_377 = arith.constant 848 : index
      %swap3A_378 = tpu.vector_load %arg8[%swap3A_377] {strides = array<i32>} : memref<1024xf32, #tpu.memory_space<vmem>>, vector<16xf32>,
      tpu.vector_store %arg8[%swap3A_377], %gather3A_376 {strides = array<i32>} : memref<1024xf32, #tpu.memory_space<vmem>>, vector<16xf32>,
      %get3A_379 = arith.constant 864 : index
      %get3A_380 = tpu.vector_load %arg6[%get3A_379] {strides = array<i32>} : memref<1024xi32, #tpu.memory_space<vmem>>, vector<16xi32>,
      %add3A_381 = arith.addi %get3A_380, %broadcast_in_dim3A : vector<16xi32>
      %gather3A_382 = tpu.vector_load_idx %arg7[%add3A_381] : memref<65536xf32, #tpu.memory_space<vmem>>[vector<16xi32>], vector<16xf32>,
      %swap3A_383 = arith.constant 864 : index
      %swap3A_384 = tpu.vector_load %arg8[%swap3A_383] {strides = array<i32>} : memref<1024xf32, #tpu.memory_space<vmem>>, vector<16xf32>,
      tpu.vector_store %arg8[%swap3A_383], %gather3A_382 {strides = array<i32>} : memref<1024xf32, #tpu.memory_space<vmem>>, vector<16xf32>,
      %get3A_385 = arith.constant 880 : index
      %get3A_386 = tpu.vector_load %arg6[%get3A_385] {strides = array<i32>} : memref<1024xi32, #tpu.memory_space<vmem>>, vector<16xi32>,
      %add3A_387 = arith.addi %get3A_386, %broadcast_in_dim3A : vector<16xi32>
      %gather3A_388 = tpu.vector_load_idx %arg7[%add3A_387] : memref<65536xf32, #tpu.memory_space<vmem>>[vector<16xi32>], vector<16xf32>,
      %swap3A_389 = arith.constant 880 : index
      %swap3A_390 = tpu.vector_load %arg8[%swap3A_389] {strides = array<i32>} : memref<1024xf32, #tpu.memory_space<vmem>>, vector<16xf32>,
      tpu.vector_store %arg8[%swap3A_389], %gather3A_388 {strides = array<i32>} : memref<1024xf32, #tpu.memory_space<vmem>>, vector<16xf32>,
      %get3A_391 = arith.constant 896 : index
      %get3A_392 = tpu.vector_load %arg6[%get3A_391] {strides = array<i32>} : memref<1024xi32, #tpu.memory_space<vmem>>, vector<16xi32>,
      %add3A_393 = arith.addi %get3A_392, %broadcast_in_dim3A : vector<16xi32>
      %gather3A_394 = tpu.vector_load_idx %arg7[%add3A_393] : memref<65536xf32, #tpu.memory_space<vmem>>[vector<16xi32>], vector<16xf32>,
      %swap3A_395 = arith.constant 896 : index
      %swap3A_396 = tpu.vector_load %arg8[%swap3A_395] {strides = array<i32>} : memref<1024xf32, #tpu.memory_space<vmem>>, vector<16xf32>,
      tpu.vector_store %arg8[%swap3A_395], %gather3A_394 {strides = array<i32>} : memref<1024xf32, #tpu.memory_space<vmem>>, vector<16xf32>,
      %get3A_397 = arith.constant 912 : index
      %get3A_398 = tpu.vector_load %arg6[%get3A_397] {strides = array<i32>} : memref<1024xi32, #tpu.memory_space<vmem>>, vector<16xi32>,
      %add3A_399 = arith.addi %get3A_398, %broadcast_in_dim3A : vector<16xi32>
      %gather3A_400 = tpu.vector_load_idx %arg7[%add3A_399] : memref<65536xf32, #tpu.memory_space<vmem>>[vector<16xi32>], vector<16xf32>,
      %swap3A_401 = arith.constant 912 : index
      %swap3A_402 = tpu.vector_load %arg8[%swap3A_401] {strides = array<i32>} : memref<1024xf32, #tpu.memory_space<vmem>>, vector<16xf32>,
      tpu.vector_store %arg8[%swap3A_401], %gather3A_400 {strides = array<i32>} : memref<1024xf32, #tpu.memory_space<vmem>>, vector<16xf32>,
      %get3A_403 = arith.constant 928 : index
      %get3A_404 = tpu.vector_load %arg6[%get3A_403] {strides = array<i32>} : memref<1024xi32, #tpu.memory_space<vmem>>, vector<16xi32>,
      %add3A_405 = arith.addi %get3A_404, %broadcast_in_dim3A : vector<16xi32>
      %gather3A_406 = tpu.vector_load_idx %arg7[%add3A_405] : memref<65536xf32, #tpu.memory_space<vmem>>[vector<16xi32>], vector<16xf32>,
      %swap3A_407 = arith.constant 928 : index
      %swap3A_408 = tpu.vector_load %arg8[%swap3A_407] {strides = array<i32>} : memref<1024xf32, #tpu.memory_space<vmem>>, vector<16xf32>,
      tpu.vector_store %arg8[%swap3A_407], %gather3A_406 {strides = array<i32>} : memref<1024xf32, #tpu.memory_space<vmem>>, vector<16xf32>,
      %get3A_409 = arith.constant 944 : index
      %get3A_410 = tpu.vector_load %arg6[%get3A_409] {strides = array<i32>} : memref<1024xi32, #tpu.memory_space<vmem>>, vector<16xi32>,
      %add3A_411 = arith.addi %get3A_410, %broadcast_in_dim3A : vector<16xi32>
      %gather3A_412 = tpu.vector_load_idx %arg7[%add3A_411] : memref<65536xf32, #tpu.memory_space<vmem>>[vector<16xi32>], vector<16xf32>,
      %swap3A_413 = arith.constant 944 : index
      %swap3A_414 = tpu.vector_load %arg8[%swap3A_413] {strides = array<i32>} : memref<1024xf32, #tpu.memory_space<vmem>>, vector<16xf32>,
      tpu.vector_store %arg8[%swap3A_413], %gather3A_412 {strides = array<i32>} : memref<1024xf32, #tpu.memory_space<vmem>>, vector<16xf32>,
      %get3A_415 = arith.constant 960 : index
      %get3A_416 = tpu.vector_load %arg6[%get3A_415] {strides = array<i32>} : memref<1024xi32, #tpu.memory_space<vmem>>, vector<16xi32>,
      %add3A_417 = arith.addi %get3A_416, %broadcast_in_dim3A : vector<16xi32>
      %gather3A_418 = tpu.vector_load_idx %arg7[%add3A_417] : memref<65536xf32, #tpu.memory_space<vmem>>[vector<16xi32>], vector<16xf32>,
      %swap3A_419 = arith.constant 960 : index
      %swap3A_420 = tpu.vector_load %arg8[%swap3A_419] {strides = array<i32>} : memref<1024xf32, #tpu.memory_space<vmem>>, vector<16xf32>,
      tpu.vector_store %arg8[%swap3A_419], %gather3A_418 {strides = array<i32>} : memref<1024xf32, #tpu.memory_space<vmem>>, vector<16xf32>,
      %get3A_421 = arith.constant 976 : index
      %get3A_422 = tpu.vector_load %arg6[%get3A_421] {strides = array<i32>} : memref<1024xi32, #tpu.memory_space<vmem>>, vector<16xi32>,
      %add3A_423 = arith.addi %get3A_422, %broadcast_in_dim3A : vector<16xi32>
      %gather3A_424 = tpu.vector_load_idx %arg7[%add3A_423] : memref<65536xf32, #tpu.memory_space<vmem>>[vector<16xi32>], vector<16xf32>,
      %swap3A_425 = arith.constant 976 : index
      %swap3A_426 = tpu.vector_load %arg8[%swap3A_425] {strides = array<i32>} : memref<1024xf32, #tpu.memory_space<vmem>>, vector<16xf32>,
      tpu.vector_store %arg8[%swap3A_425], %gather3A_424 {strides = array<i32>} : memref<1024xf32, #tpu.memory_space<vmem>>, vector<16xf32>,
      %get3A_427 = arith.constant 992 : index
      %get3A_428 = tpu.vector_load %arg6[%get3A_427] {strides = array<i32>} : memref<1024xi32, #tpu.memory_space<vmem>>, vector<16xi32>,
      %add3A_429 = arith.addi %get3A_428, %broadcast_in_dim3A : vector<16xi32>
      %gather3A_430 = tpu.vector_load_idx %arg7[%add3A_429] : memref<65536xf32, #tpu.memory_space<vmem>>[vector<16xi32>], vector<16xf32>,
      %swap3A_431 = arith.constant 992 : index
      %swap3A_432 = tpu.vector_load %arg8[%swap3A_431] {strides = array<i32>} : memref<1024xf32, #tpu.memory_space<vmem>>, vector<16xf32>,
      tpu.vector_store %arg8[%swap3A_431], %gather3A_430 {strides = array<i32>} : memref<1024xf32, #tpu.memory_space<vmem>>, vector<16xf32>,
      %get3A_433 = arith.constant 1008 : index
      %get3A_434 = tpu.vector_load %arg6[%get3A_433] {strides = array<i32>} : memref<1024xi32, #tpu.memory_space<vmem>>, vector<16xi32>,
      %add3A_435 = arith.addi %get3A_434, %broadcast_in_dim3A : vector<16xi32>
      %gather3A_436 = tpu.vector_load_idx %arg7[%add3A_435] : memref<65536xf32, #tpu.memory_space<vmem>>[vector<16xi32>], vector<16xf32>,
      %swap3A_437 = arith.constant 1008 : index
      %swap3A_438 = tpu.vector_load %arg8[%swap3A_437] {strides = array<i32>} : memref<1024xf32, #tpu.memory_space<vmem>>, vector<16xf32>,
      tpu.vector_store %arg8[%swap3A_437], %gather3A_436 {strides = array<i32>} : memref<1024xf32, #tpu.memory_space<vmem>>, vector<16xf32>,
      %mul3A_439 = arith.constant 256 : i32
      %mul3A_440 = arith.muli %select_n3A, %mul3A_439 : i32
      %add3A_441 = arith.addi %mul3A_440, %add3A_34 : i32
      %add3A_442 = arith.addi %add3A_441, %scan3A_54 : i32
      %mul3A_443 = arith.constant 1024 : i32
      %mul3A_444 = arith.muli %add3A_442, %mul3A_443 : i32
      "tpu.region"() ({
        %run_scoped3A = tpu.sem_alloc : memref<!tpu.dma_semaphore, #tpu.memory_space<semaphore_mem>>
        %dma_start3A = tpu.memref_slice %arg4[%mul3A_444] : memref<4194304xf32, #tpu.memory_space<hbm>> -> memref<1024xf32, #tpu.memory_space<hbm>>
        %dma_start3A_446 = tpu.memref_slice %arg4[%mul3A_444] : memref<4194304xf32, #tpu.memory_space<hbm>> -> memref<1024xf32, #tpu.memory_space<hbm>>
        tpu.enqueue_dma source(%arg8 : memref<1024xf32, #tpu.memory_space<vmem>>) target(%dma_start3A_446 : memref<1024xf32, #tpu.memory_space<hbm>>) target_semaphore(%run_scoped3A : memref<!tpu.dma_semaphore, #tpu.memory_space<semaphore_mem>>)
        %dma_wait3A = tpu.memref_slice %arg4[%mul3A_444] : memref<4194304xf32, #tpu.memory_space<hbm>> -> memref<1024xf32, #tpu.memory_space<hbm>>
        %dma_wait3A_447 = tpu.memref_slice %arg4[%mul3A_444] : memref<4194304xf32, #tpu.memory_space<hbm>> -> memref<1024xf32, #tpu.memory_space<hbm>>
        tpu.wait_dma2 semaphore(%run_scoped3A : memref<!tpu.dma_semaphore, #tpu.memory_space<semaphore_mem>>) src(%arg8 : memref<1024xf32, #tpu.memory_space<vmem>>) dst(%dma_wait3A_447 : memref<1024xf32, #tpu.memory_space<hbm>>)
        tpu.yield
      }) : () -> ()
      "tpu.region"() ({
        %run_scoped3A = tpu.sem_alloc : memref<!tpu.dma_semaphore, #tpu.memory_space<semaphore_mem>>
        %dma_start3A = tpu.memref_slice %arg5[%mul3A_444] : memref<4194304xf32, #tpu.memory_space<hbm>> -> memref<1024xf32, #tpu.memory_space<hbm>>
        %dma_start3A_446 = tpu.memref_slice %arg5[%mul3A_444] : memref<4194304xf32, #tpu.memory_space<hbm>> -> memref<1024xf32, #tpu.memory_space<hbm>>
        tpu.enqueue_dma source(%arg8 : memref<1024xf32, #tpu.memory_space<vmem>>) target(%dma_start3A_446 : memref<1024xf32, #tpu.memory_space<hbm>>) target_semaphore(%run_scoped3A : memref<!tpu.dma_semaphore, #tpu.memory_space<semaphore_mem>>)
        %dma_wait3A = tpu.memref_slice %arg5[%mul3A_444] : memref<4194304xf32, #tpu.memory_space<hbm>> -> memref<1024xf32, #tpu.memory_space<hbm>>
        %dma_wait3A_447 = tpu.memref_slice %arg5[%mul3A_444] : memref<4194304xf32, #tpu.memory_space<hbm>> -> memref<1024xf32, #tpu.memory_space<hbm>>
        tpu.wait_dma2 semaphore(%run_scoped3A : memref<!tpu.dma_semaphore, #tpu.memory_space<semaphore_mem>>) src(%arg8 : memref<1024xf32, #tpu.memory_space<vmem>>) dst(%dma_wait3A_447 : memref<1024xf32, #tpu.memory_space<hbm>>)
        tpu.yield
      }) : () -> ()
      %scan3A_445 = arith.constant 0 : i32
      scf.yield %scan3A_445 : i32
    }
    %scan3A_42 = arith.constant 64 : i32
    %add3A_43 = arith.constant 64 : i32
    %add3A_44 = arith.addi %mul3A_32, %add3A_43 : i32
    %mul3A_45 = arith.constant 1024 : i32
    %mul3A_46 = arith.muli %add3A_44, %mul3A_45 : i32
    "tpu.region"() ({
      %run_scoped3A = tpu.sem_alloc : memref<!tpu.dma_semaphore, #tpu.memory_space<semaphore_mem>>
      %dma_start3A = tpu.memref_slice %arg2[%mul3A_46] : memref<262144xf32, #tpu.memory_space<hbm>> -> memref<65536xf32, #tpu.memory_space<hbm>>
      %dma_start3A_54 = tpu.memref_slice %arg2[%mul3A_46] : memref<262144xf32, #tpu.memory_space<hbm>> -> memref<65536xf32, #tpu.memory_space<hbm>>
      tpu.enqueue_dma source(%dma_start3A_54 : memref<65536xf32, #tpu.memory_space<hbm>>) target(%arg7 : memref<65536xf32, #tpu.memory_space<vmem>>) target_semaphore(%run_scoped3A : memref<!tpu.dma_semaphore, #tpu.memory_space<semaphore_mem>>)
      %dma_wait3A = tpu.memref_slice %arg2[%mul3A_46] : memref<262144xf32, #tpu.memory_space<hbm>> -> memref<65536xf32, #tpu.memory_space<hbm>>
      %dma_wait3A_55 = tpu.memref_slice %arg2[%mul3A_46] : memref<262144xf32, #tpu.memory_space<hbm>> -> memref<65536xf32, #tpu.memory_space<hbm>>
      tpu.wait_dma2 semaphore(%run_scoped3A : memref<!tpu.dma_semaphore, #tpu.memory_space<semaphore_mem>>) src(%dma_wait3A_55 : memref<65536xf32, #tpu.memory_space<hbm>>) dst(%arg7 : memref<65536xf32, #tpu.memory_space<vmem>>)
      tpu.yield
    }) : () -> ()
    %scan3A_47 = arith.constant 0 : i32
    %scan3A_48 = arith.constant 0 : i32
    %scan3A_49 = arith.constant 64 : i32
    %scan3A_50 = arith.addi %scan3A_48, %scan3A_49 : i32
    %scan3A_51 = arith.constant 1 : i32
    %scan3A_52 = scf.for %scan3A_54 = %scan3A_48 to %scan3A_50 step %scan3A_51 iter_args(%scan3A_55 = %scan3A_47) -> (i32)  : i32 {
      %mul3A_56 = arith.constant 1024 : i32
      %mul3A_57 = arith.muli %scan3A_54, %mul3A_56 : i32
      %broadcast_in_dim3A = vector.broadcast %mul3A_57 : i32 to vector<16xi32>
      %get3A = arith.constant 0 : index
      %get3A_58 = tpu.vector_load %arg6[%get3A] {strides = array<i32>} : memref<1024xi32, #tpu.memory_space<vmem>>, vector<16xi32>,
      %add3A_59 = arith.addi %get3A_58, %broadcast_in_dim3A : vector<16xi32>
      %gather3A = tpu.vector_load_idx %arg7[%add3A_59] : memref<65536xf32, #tpu.memory_space<vmem>>[vector<16xi32>], vector<16xf32>,
      %swap3A = arith.constant 0 : index
      %swap3A_60 = tpu.vector_load %arg8[%swap3A] {strides = array<i32>} : memref<1024xf32, #tpu.memory_space<vmem>>, vector<16xf32>,
      tpu.vector_store %arg8[%swap3A], %gather3A {strides = array<i32>} : memref<1024xf32, #tpu.memory_space<vmem>>, vector<16xf32>,
      %get3A_61 = arith.constant 16 : index
      %get3A_62 = tpu.vector_load %arg6[%get3A_61] {strides = array<i32>} : memref<1024xi32, #tpu.memory_space<vmem>>, vector<16xi32>,
      %add3A_63 = arith.addi %get3A_62, %broadcast_in_dim3A : vector<16xi32>
      %gather3A_64 = tpu.vector_load_idx %arg7[%add3A_63] : memref<65536xf32, #tpu.memory_space<vmem>>[vector<16xi32>], vector<16xf32>,
      %swap3A_65 = arith.constant 16 : index
      %swap3A_66 = tpu.vector_load %arg8[%swap3A_65] {strides = array<i32>} : memref<1024xf32, #tpu.memory_space<vmem>>, vector<16xf32>,
      tpu.vector_store %arg8[%swap3A_65], %gather3A_64 {strides = array<i32>} : memref<1024xf32, #tpu.memory_space<vmem>>, vector<16xf32>,
      %get3A_67 = arith.constant 32 : index
      %get3A_68 = tpu.vector_load %arg6[%get3A_67] {strides = array<i32>} : memref<1024xi32, #tpu.memory_space<vmem>>, vector<16xi32>,
      %add3A_69 = arith.addi %get3A_68, %broadcast_in_dim3A : vector<16xi32>
      %gather3A_70 = tpu.vector_load_idx %arg7[%add3A_69] : memref<65536xf32, #tpu.memory_space<vmem>>[vector<16xi32>], vector<16xf32>,
      %swap3A_71 = arith.constant 32 : index
      %swap3A_72 = tpu.vector_load %arg8[%swap3A_71] {strides = array<i32>} : memref<1024xf32, #tpu.memory_space<vmem>>, vector<16xf32>,
      tpu.vector_store %arg8[%swap3A_71], %gather3A_70 {strides = array<i32>} : memref<1024xf32, #tpu.memory_space<vmem>>, vector<16xf32>,
      %get3A_73 = arith.constant 48 : index
      %get3A_74 = tpu.vector_load %arg6[%get3A_73] {strides = array<i32>} : memref<1024xi32, #tpu.memory_space<vmem>>, vector<16xi32>,
      %add3A_75 = arith.addi %get3A_74, %broadcast_in_dim3A : vector<16xi32>
      %gather3A_76 = tpu.vector_load_idx %arg7[%add3A_75] : memref<65536xf32, #tpu.memory_space<vmem>>[vector<16xi32>], vector<16xf32>,
      %swap3A_77 = arith.constant 48 : index
      %swap3A_78 = tpu.vector_load %arg8[%swap3A_77] {strides = array<i32>} : memref<1024xf32, #tpu.memory_space<vmem>>, vector<16xf32>,
      tpu.vector_store %arg8[%swap3A_77], %gather3A_76 {strides = array<i32>} : memref<1024xf32, #tpu.memory_space<vmem>>, vector<16xf32>,
      %get3A_79 = arith.constant 64 : index
      %get3A_80 = tpu.vector_load %arg6[%get3A_79] {strides = array<i32>} : memref<1024xi32, #tpu.memory_space<vmem>>, vector<16xi32>,
      %add3A_81 = arith.addi %get3A_80, %broadcast_in_dim3A : vector<16xi32>
      %gather3A_82 = tpu.vector_load_idx %arg7[%add3A_81] : memref<65536xf32, #tpu.memory_space<vmem>>[vector<16xi32>], vector<16xf32>,
      %swap3A_83 = arith.constant 64 : index
      %swap3A_84 = tpu.vector_load %arg8[%swap3A_83] {strides = array<i32>} : memref<1024xf32, #tpu.memory_space<vmem>>, vector<16xf32>,
      tpu.vector_store %arg8[%swap3A_83], %gather3A_82 {strides = array<i32>} : memref<1024xf32, #tpu.memory_space<vmem>>, vector<16xf32>,
      %get3A_85 = arith.constant 80 : index
      %get3A_86 = tpu.vector_load %arg6[%get3A_85] {strides = array<i32>} : memref<1024xi32, #tpu.memory_space<vmem>>, vector<16xi32>,
      %add3A_87 = arith.addi %get3A_86, %broadcast_in_dim3A : vector<16xi32>
      %gather3A_88 = tpu.vector_load_idx %arg7[%add3A_87] : memref<65536xf32, #tpu.memory_space<vmem>>[vector<16xi32>], vector<16xf32>,
      %swap3A_89 = arith.constant 80 : index
      %swap3A_90 = tpu.vector_load %arg8[%swap3A_89] {strides = array<i32>} : memref<1024xf32, #tpu.memory_space<vmem>>, vector<16xf32>,
      tpu.vector_store %arg8[%swap3A_89], %gather3A_88 {strides = array<i32>} : memref<1024xf32, #tpu.memory_space<vmem>>, vector<16xf32>,
      %get3A_91 = arith.constant 96 : index
      %get3A_92 = tpu.vector_load %arg6[%get3A_91] {strides = array<i32>} : memref<1024xi32, #tpu.memory_space<vmem>>, vector<16xi32>,
      %add3A_93 = arith.addi %get3A_92, %broadcast_in_dim3A : vector<16xi32>
      %gather3A_94 = tpu.vector_load_idx %arg7[%add3A_93] : memref<65536xf32, #tpu.memory_space<vmem>>[vector<16xi32>], vector<16xf32>,
      %swap3A_95 = arith.constant 96 : index
      %swap3A_96 = tpu.vector_load %arg8[%swap3A_95] {strides = array<i32>} : memref<1024xf32, #tpu.memory_space<vmem>>, vector<16xf32>,
      tpu.vector_store %arg8[%swap3A_95], %gather3A_94 {strides = array<i32>} : memref<1024xf32, #tpu.memory_space<vmem>>, vector<16xf32>,
      %get3A_97 = arith.constant 112 : index
      %get3A_98 = tpu.vector_load %arg6[%get3A_97] {strides = array<i32>} : memref<1024xi32, #tpu.memory_space<vmem>>, vector<16xi32>,
      %add3A_99 = arith.addi %get3A_98, %broadcast_in_dim3A : vector<16xi32>
      %gather3A_100 = tpu.vector_load_idx %arg7[%add3A_99] : memref<65536xf32, #tpu.memory_space<vmem>>[vector<16xi32>], vector<16xf32>,
      %swap3A_101 = arith.constant 112 : index
      %swap3A_102 = tpu.vector_load %arg8[%swap3A_101] {strides = array<i32>} : memref<1024xf32, #tpu.memory_space<vmem>>, vector<16xf32>,
      tpu.vector_store %arg8[%swap3A_101], %gather3A_100 {strides = array<i32>} : memref<1024xf32, #tpu.memory_space<vmem>>, vector<16xf32>,
      %get3A_103 = arith.constant 128 : index
      %get3A_104 = tpu.vector_load %arg6[%get3A_103] {strides = array<i32>} : memref<1024xi32, #tpu.memory_space<vmem>>, vector<16xi32>,
      %add3A_105 = arith.addi %get3A_104, %broadcast_in_dim3A : vector<16xi32>
      %gather3A_106 = tpu.vector_load_idx %arg7[%add3A_105] : memref<65536xf32, #tpu.memory_space<vmem>>[vector<16xi32>], vector<16xf32>,
      %swap3A_107 = arith.constant 128 : index
      %swap3A_108 = tpu.vector_load %arg8[%swap3A_107] {strides = array<i32>} : memref<1024xf32, #tpu.memory_space<vmem>>, vector<16xf32>,
      tpu.vector_store %arg8[%swap3A_107], %gather3A_106 {strides = array<i32>} : memref<1024xf32, #tpu.memory_space<vmem>>, vector<16xf32>,
      %get3A_109 = arith.constant 144 : index
      %get3A_110 = tpu.vector_load %arg6[%get3A_109] {strides = array<i32>} : memref<1024xi32, #tpu.memory_space<vmem>>, vector<16xi32>,
      %add3A_111 = arith.addi %get3A_110, %broadcast_in_dim3A : vector<16xi32>
      %gather3A_112 = tpu.vector_load_idx %arg7[%add3A_111] : memref<65536xf32, #tpu.memory_space<vmem>>[vector<16xi32>], vector<16xf32>,
      %swap3A_113 = arith.constant 144 : index
      %swap3A_114 = tpu.vector_load %arg8[%swap3A_113] {strides = array<i32>} : memref<1024xf32, #tpu.memory_space<vmem>>, vector<16xf32>,
      tpu.vector_store %arg8[%swap3A_113], %gather3A_112 {strides = array<i32>} : memref<1024xf32, #tpu.memory_space<vmem>>, vector<16xf32>,
      %get3A_115 = arith.constant 160 : index
      %get3A_116 = tpu.vector_load %arg6[%get3A_115] {strides = array<i32>} : memref<1024xi32, #tpu.memory_space<vmem>>, vector<16xi32>,
      %add3A_117 = arith.addi %get3A_116, %broadcast_in_dim3A : vector<16xi32>
      %gather3A_118 = tpu.vector_load_idx %arg7[%add3A_117] : memref<65536xf32, #tpu.memory_space<vmem>>[vector<16xi32>], vector<16xf32>,
      %swap3A_119 = arith.constant 160 : index
      %swap3A_120 = tpu.vector_load %arg8[%swap3A_119] {strides = array<i32>} : memref<1024xf32, #tpu.memory_space<vmem>>, vector<16xf32>,
      tpu.vector_store %arg8[%swap3A_119], %gather3A_118 {strides = array<i32>} : memref<1024xf32, #tpu.memory_space<vmem>>, vector<16xf32>,
      %get3A_121 = arith.constant 176 : index
      %get3A_122 = tpu.vector_load %arg6[%get3A_121] {strides = array<i32>} : memref<1024xi32, #tpu.memory_space<vmem>>, vector<16xi32>,
      %add3A_123 = arith.addi %get3A_122, %broadcast_in_dim3A : vector<16xi32>
      %gather3A_124 = tpu.vector_load_idx %arg7[%add3A_123] : memref<65536xf32, #tpu.memory_space<vmem>>[vector<16xi32>], vector<16xf32>,
      %swap3A_125 = arith.constant 176 : index
      %swap3A_126 = tpu.vector_load %arg8[%swap3A_125] {strides = array<i32>} : memref<1024xf32, #tpu.memory_space<vmem>>, vector<16xf32>,
      tpu.vector_store %arg8[%swap3A_125], %gather3A_124 {strides = array<i32>} : memref<1024xf32, #tpu.memory_space<vmem>>, vector<16xf32>,
      %get3A_127 = arith.constant 192 : index
      %get3A_128 = tpu.vector_load %arg6[%get3A_127] {strides = array<i32>} : memref<1024xi32, #tpu.memory_space<vmem>>, vector<16xi32>,
      %add3A_129 = arith.addi %get3A_128, %broadcast_in_dim3A : vector<16xi32>
      %gather3A_130 = tpu.vector_load_idx %arg7[%add3A_129] : memref<65536xf32, #tpu.memory_space<vmem>>[vector<16xi32>], vector<16xf32>,
      %swap3A_131 = arith.constant 192 : index
      %swap3A_132 = tpu.vector_load %arg8[%swap3A_131] {strides = array<i32>} : memref<1024xf32, #tpu.memory_space<vmem>>, vector<16xf32>,
      tpu.vector_store %arg8[%swap3A_131], %gather3A_130 {strides = array<i32>} : memref<1024xf32, #tpu.memory_space<vmem>>, vector<16xf32>,
      %get3A_133 = arith.constant 208 : index
      %get3A_134 = tpu.vector_load %arg6[%get3A_133] {strides = array<i32>} : memref<1024xi32, #tpu.memory_space<vmem>>, vector<16xi32>,
      %add3A_135 = arith.addi %get3A_134, %broadcast_in_dim3A : vector<16xi32>
      %gather3A_136 = tpu.vector_load_idx %arg7[%add3A_135] : memref<65536xf32, #tpu.memory_space<vmem>>[vector<16xi32>], vector<16xf32>,
      %swap3A_137 = arith.constant 208 : index
      %swap3A_138 = tpu.vector_load %arg8[%swap3A_137] {strides = array<i32>} : memref<1024xf32, #tpu.memory_space<vmem>>, vector<16xf32>,
      tpu.vector_store %arg8[%swap3A_137], %gather3A_136 {strides = array<i32>} : memref<1024xf32, #tpu.memory_space<vmem>>, vector<16xf32>,
      %get3A_139 = arith.constant 224 : index
      %get3A_140 = tpu.vector_load %arg6[%get3A_139] {strides = array<i32>} : memref<1024xi32, #tpu.memory_space<vmem>>, vector<16xi32>,
      %add3A_141 = arith.addi %get3A_140, %broadcast_in_dim3A : vector<16xi32>
      %gather3A_142 = tpu.vector_load_idx %arg7[%add3A_141] : memref<65536xf32, #tpu.memory_space<vmem>>[vector<16xi32>], vector<16xf32>,
      %swap3A_143 = arith.constant 224 : index
      %swap3A_144 = tpu.vector_load %arg8[%swap3A_143] {strides = array<i32>} : memref<1024xf32, #tpu.memory_space<vmem>>, vector<16xf32>,
      tpu.vector_store %arg8[%swap3A_143], %gather3A_142 {strides = array<i32>} : memref<1024xf32, #tpu.memory_space<vmem>>, vector<16xf32>,
      %get3A_145 = arith.constant 240 : index
      %get3A_146 = tpu.vector_load %arg6[%get3A_145] {strides = array<i32>} : memref<1024xi32, #tpu.memory_space<vmem>>, vector<16xi32>,
      %add3A_147 = arith.addi %get3A_146, %broadcast_in_dim3A : vector<16xi32>
      %gather3A_148 = tpu.vector_load_idx %arg7[%add3A_147] : memref<65536xf32, #tpu.memory_space<vmem>>[vector<16xi32>], vector<16xf32>,
      %swap3A_149 = arith.constant 240 : index
      %swap3A_150 = tpu.vector_load %arg8[%swap3A_149] {strides = array<i32>} : memref<1024xf32, #tpu.memory_space<vmem>>, vector<16xf32>,
      tpu.vector_store %arg8[%swap3A_149], %gather3A_148 {strides = array<i32>} : memref<1024xf32, #tpu.memory_space<vmem>>, vector<16xf32>,
      %get3A_151 = arith.constant 256 : index
      %get3A_152 = tpu.vector_load %arg6[%get3A_151] {strides = array<i32>} : memref<1024xi32, #tpu.memory_space<vmem>>, vector<16xi32>,
      %add3A_153 = arith.addi %get3A_152, %broadcast_in_dim3A : vector<16xi32>
      %gather3A_154 = tpu.vector_load_idx %arg7[%add3A_153] : memref<65536xf32, #tpu.memory_space<vmem>>[vector<16xi32>], vector<16xf32>,
      %swap3A_155 = arith.constant 256 : index
      %swap3A_156 = tpu.vector_load %arg8[%swap3A_155] {strides = array<i32>} : memref<1024xf32, #tpu.memory_space<vmem>>, vector<16xf32>,
      tpu.vector_store %arg8[%swap3A_155], %gather3A_154 {strides = array<i32>} : memref<1024xf32, #tpu.memory_space<vmem>>, vector<16xf32>,
      %get3A_157 = arith.constant 272 : index
      %get3A_158 = tpu.vector_load %arg6[%get3A_157] {strides = array<i32>} : memref<1024xi32, #tpu.memory_space<vmem>>, vector<16xi32>,
      %add3A_159 = arith.addi %get3A_158, %broadcast_in_dim3A : vector<16xi32>
      %gather3A_160 = tpu.vector_load_idx %arg7[%add3A_159] : memref<65536xf32, #tpu.memory_space<vmem>>[vector<16xi32>], vector<16xf32>,
      %swap3A_161 = arith.constant 272 : index
      %swap3A_162 = tpu.vector_load %arg8[%swap3A_161] {strides = array<i32>} : memref<1024xf32, #tpu.memory_space<vmem>>, vector<16xf32>,
      tpu.vector_store %arg8[%swap3A_161], %gather3A_160 {strides = array<i32>} : memref<1024xf32, #tpu.memory_space<vmem>>, vector<16xf32>,
      %get3A_163 = arith.constant 288 : index
      %get3A_164 = tpu.vector_load %arg6[%get3A_163] {strides = array<i32>} : memref<1024xi32, #tpu.memory_space<vmem>>, vector<16xi32>,
      %add3A_165 = arith.addi %get3A_164, %broadcast_in_dim3A : vector<16xi32>
      %gather3A_166 = tpu.vector_load_idx %arg7[%add3A_165] : memref<65536xf32, #tpu.memory_space<vmem>>[vector<16xi32>], vector<16xf32>,
      %swap3A_167 = arith.constant 288 : index
      %swap3A_168 = tpu.vector_load %arg8[%swap3A_167] {strides = array<i32>} : memref<1024xf32, #tpu.memory_space<vmem>>, vector<16xf32>,
      tpu.vector_store %arg8[%swap3A_167], %gather3A_166 {strides = array<i32>} : memref<1024xf32, #tpu.memory_space<vmem>>, vector<16xf32>,
      %get3A_169 = arith.constant 304 : index
      %get3A_170 = tpu.vector_load %arg6[%get3A_169] {strides = array<i32>} : memref<1024xi32, #tpu.memory_space<vmem>>, vector<16xi32>,
      %add3A_171 = arith.addi %get3A_170, %broadcast_in_dim3A : vector<16xi32>
      %gather3A_172 = tpu.vector_load_idx %arg7[%add3A_171] : memref<65536xf32, #tpu.memory_space<vmem>>[vector<16xi32>], vector<16xf32>,
      %swap3A_173 = arith.constant 304 : index
      %swap3A_174 = tpu.vector_load %arg8[%swap3A_173] {strides = array<i32>} : memref<1024xf32, #tpu.memory_space<vmem>>, vector<16xf32>,
      tpu.vector_store %arg8[%swap3A_173], %gather3A_172 {strides = array<i32>} : memref<1024xf32, #tpu.memory_space<vmem>>, vector<16xf32>,
      %get3A_175 = arith.constant 320 : index
      %get3A_176 = tpu.vector_load %arg6[%get3A_175] {strides = array<i32>} : memref<1024xi32, #tpu.memory_space<vmem>>, vector<16xi32>,
      %add3A_177 = arith.addi %get3A_176, %broadcast_in_dim3A : vector<16xi32>
      %gather3A_178 = tpu.vector_load_idx %arg7[%add3A_177] : memref<65536xf32, #tpu.memory_space<vmem>>[vector<16xi32>], vector<16xf32>,
      %swap3A_179 = arith.constant 320 : index
      %swap3A_180 = tpu.vector_load %arg8[%swap3A_179] {strides = array<i32>} : memref<1024xf32, #tpu.memory_space<vmem>>, vector<16xf32>,
      tpu.vector_store %arg8[%swap3A_179], %gather3A_178 {strides = array<i32>} : memref<1024xf32, #tpu.memory_space<vmem>>, vector<16xf32>,
      %get3A_181 = arith.constant 336 : index
      %get3A_182 = tpu.vector_load %arg6[%get3A_181] {strides = array<i32>} : memref<1024xi32, #tpu.memory_space<vmem>>, vector<16xi32>,
      %add3A_183 = arith.addi %get3A_182, %broadcast_in_dim3A : vector<16xi32>
      %gather3A_184 = tpu.vector_load_idx %arg7[%add3A_183] : memref<65536xf32, #tpu.memory_space<vmem>>[vector<16xi32>], vector<16xf32>,
      %swap3A_185 = arith.constant 336 : index
      %swap3A_186 = tpu.vector_load %arg8[%swap3A_185] {strides = array<i32>} : memref<1024xf32, #tpu.memory_space<vmem>>, vector<16xf32>,
      tpu.vector_store %arg8[%swap3A_185], %gather3A_184 {strides = array<i32>} : memref<1024xf32, #tpu.memory_space<vmem>>, vector<16xf32>,
      %get3A_187 = arith.constant 352 : index
      %get3A_188 = tpu.vector_load %arg6[%get3A_187] {strides = array<i32>} : memref<1024xi32, #tpu.memory_space<vmem>>, vector<16xi32>,
      %add3A_189 = arith.addi %get3A_188, %broadcast_in_dim3A : vector<16xi32>
      %gather3A_190 = tpu.vector_load_idx %arg7[%add3A_189] : memref<65536xf32, #tpu.memory_space<vmem>>[vector<16xi32>], vector<16xf32>,
      %swap3A_191 = arith.constant 352 : index
      %swap3A_192 = tpu.vector_load %arg8[%swap3A_191] {strides = array<i32>} : memref<1024xf32, #tpu.memory_space<vmem>>, vector<16xf32>,
      tpu.vector_store %arg8[%swap3A_191], %gather3A_190 {strides = array<i32>} : memref<1024xf32, #tpu.memory_space<vmem>>, vector<16xf32>,
      %get3A_193 = arith.constant 368 : index
      %get3A_194 = tpu.vector_load %arg6[%get3A_193] {strides = array<i32>} : memref<1024xi32, #tpu.memory_space<vmem>>, vector<16xi32>,
      %add3A_195 = arith.addi %get3A_194, %broadcast_in_dim3A : vector<16xi32>
      %gather3A_196 = tpu.vector_load_idx %arg7[%add3A_195] : memref<65536xf32, #tpu.memory_space<vmem>>[vector<16xi32>], vector<16xf32>,
      %swap3A_197 = arith.constant 368 : index
      %swap3A_198 = tpu.vector_load %arg8[%swap3A_197] {strides = array<i32>} : memref<1024xf32, #tpu.memory_space<vmem>>, vector<16xf32>,
      tpu.vector_store %arg8[%swap3A_197], %gather3A_196 {strides = array<i32>} : memref<1024xf32, #tpu.memory_space<vmem>>, vector<16xf32>,
      %get3A_199 = arith.constant 384 : index
      %get3A_200 = tpu.vector_load %arg6[%get3A_199] {strides = array<i32>} : memref<1024xi32, #tpu.memory_space<vmem>>, vector<16xi32>,
      %add3A_201 = arith.addi %get3A_200, %broadcast_in_dim3A : vector<16xi32>
      %gather3A_202 = tpu.vector_load_idx %arg7[%add3A_201] : memref<65536xf32, #tpu.memory_space<vmem>>[vector<16xi32>], vector<16xf32>,
      %swap3A_203 = arith.constant 384 : index
      %swap3A_204 = tpu.vector_load %arg8[%swap3A_203] {strides = array<i32>} : memref<1024xf32, #tpu.memory_space<vmem>>, vector<16xf32>,
      tpu.vector_store %arg8[%swap3A_203], %gather3A_202 {strides = array<i32>} : memref<1024xf32, #tpu.memory_space<vmem>>, vector<16xf32>,
      %get3A_205 = arith.constant 400 : index
      %get3A_206 = tpu.vector_load %arg6[%get3A_205] {strides = array<i32>} : memref<1024xi32, #tpu.memory_space<vmem>>, vector<16xi32>,
      %add3A_207 = arith.addi %get3A_206, %broadcast_in_dim3A : vector<16xi32>
      %gather3A_208 = tpu.vector_load_idx %arg7[%add3A_207] : memref<65536xf32, #tpu.memory_space<vmem>>[vector<16xi32>], vector<16xf32>,
      %swap3A_209 = arith.constant 400 : index
      %swap3A_210 = tpu.vector_load %arg8[%swap3A_209] {strides = array<i32>} : memref<1024xf32, #tpu.memory_space<vmem>>, vector<16xf32>,
      tpu.vector_store %arg8[%swap3A_209], %gather3A_208 {strides = array<i32>} : memref<1024xf32, #tpu.memory_space<vmem>>, vector<16xf32>,
      %get3A_211 = arith.constant 416 : index
      %get3A_212 = tpu.vector_load %arg6[%get3A_211] {strides = array<i32>} : memref<1024xi32, #tpu.memory_space<vmem>>, vector<16xi32>,
      %add3A_213 = arith.addi %get3A_212, %broadcast_in_dim3A : vector<16xi32>
      %gather3A_214 = tpu.vector_load_idx %arg7[%add3A_213] : memref<65536xf32, #tpu.memory_space<vmem>>[vector<16xi32>], vector<16xf32>,
      %swap3A_215 = arith.constant 416 : index
      %swap3A_216 = tpu.vector_load %arg8[%swap3A_215] {strides = array<i32>} : memref<1024xf32, #tpu.memory_space<vmem>>, vector<16xf32>,
      tpu.vector_store %arg8[%swap3A_215], %gather3A_214 {strides = array<i32>} : memref<1024xf32, #tpu.memory_space<vmem>>, vector<16xf32>,
      %get3A_217 = arith.constant 432 : index
      %get3A_218 = tpu.vector_load %arg6[%get3A_217] {strides = array<i32>} : memref<1024xi32, #tpu.memory_space<vmem>>, vector<16xi32>,
      %add3A_219 = arith.addi %get3A_218, %broadcast_in_dim3A : vector<16xi32>
      %gather3A_220 = tpu.vector_load_idx %arg7[%add3A_219] : memref<65536xf32, #tpu.memory_space<vmem>>[vector<16xi32>], vector<16xf32>,
      %swap3A_221 = arith.constant 432 : index
      %swap3A_222 = tpu.vector_load %arg8[%swap3A_221] {strides = array<i32>} : memref<1024xf32, #tpu.memory_space<vmem>>, vector<16xf32>,
      tpu.vector_store %arg8[%swap3A_221], %gather3A_220 {strides = array<i32>} : memref<1024xf32, #tpu.memory_space<vmem>>, vector<16xf32>,
      %get3A_223 = arith.constant 448 : index
      %get3A_224 = tpu.vector_load %arg6[%get3A_223] {strides = array<i32>} : memref<1024xi32, #tpu.memory_space<vmem>>, vector<16xi32>,
      %add3A_225 = arith.addi %get3A_224, %broadcast_in_dim3A : vector<16xi32>
      %gather3A_226 = tpu.vector_load_idx %arg7[%add3A_225] : memref<65536xf32, #tpu.memory_space<vmem>>[vector<16xi32>], vector<16xf32>,
      %swap3A_227 = arith.constant 448 : index
      %swap3A_228 = tpu.vector_load %arg8[%swap3A_227] {strides = array<i32>} : memref<1024xf32, #tpu.memory_space<vmem>>, vector<16xf32>,
      tpu.vector_store %arg8[%swap3A_227], %gather3A_226 {strides = array<i32>} : memref<1024xf32, #tpu.memory_space<vmem>>, vector<16xf32>,
      %get3A_229 = arith.constant 464 : index
      %get3A_230 = tpu.vector_load %arg6[%get3A_229] {strides = array<i32>} : memref<1024xi32, #tpu.memory_space<vmem>>, vector<16xi32>,
      %add3A_231 = arith.addi %get3A_230, %broadcast_in_dim3A : vector<16xi32>
      %gather3A_232 = tpu.vector_load_idx %arg7[%add3A_231] : memref<65536xf32, #tpu.memory_space<vmem>>[vector<16xi32>], vector<16xf32>,
      %swap3A_233 = arith.constant 464 : index
      %swap3A_234 = tpu.vector_load %arg8[%swap3A_233] {strides = array<i32>} : memref<1024xf32, #tpu.memory_space<vmem>>, vector<16xf32>,
      tpu.vector_store %arg8[%swap3A_233], %gather3A_232 {strides = array<i32>} : memref<1024xf32, #tpu.memory_space<vmem>>, vector<16xf32>,
      %get3A_235 = arith.constant 480 : index
      %get3A_236 = tpu.vector_load %arg6[%get3A_235] {strides = array<i32>} : memref<1024xi32, #tpu.memory_space<vmem>>, vector<16xi32>,
      %add3A_237 = arith.addi %get3A_236, %broadcast_in_dim3A : vector<16xi32>
      %gather3A_238 = tpu.vector_load_idx %arg7[%add3A_237] : memref<65536xf32, #tpu.memory_space<vmem>>[vector<16xi32>], vector<16xf32>,
      %swap3A_239 = arith.constant 480 : index
      %swap3A_240 = tpu.vector_load %arg8[%swap3A_239] {strides = array<i32>} : memref<1024xf32, #tpu.memory_space<vmem>>, vector<16xf32>,
      tpu.vector_store %arg8[%swap3A_239], %gather3A_238 {strides = array<i32>} : memref<1024xf32, #tpu.memory_space<vmem>>, vector<16xf32>,
      %get3A_241 = arith.constant 496 : index
      %get3A_242 = tpu.vector_load %arg6[%get3A_241] {strides = array<i32>} : memref<1024xi32, #tpu.memory_space<vmem>>, vector<16xi32>,
      %add3A_243 = arith.addi %get3A_242, %broadcast_in_dim3A : vector<16xi32>
      %gather3A_244 = tpu.vector_load_idx %arg7[%add3A_243] : memref<65536xf32, #tpu.memory_space<vmem>>[vector<16xi32>], vector<16xf32>,
      %swap3A_245 = arith.constant 496 : index
      %swap3A_246 = tpu.vector_load %arg8[%swap3A_245] {strides = array<i32>} : memref<1024xf32, #tpu.memory_space<vmem>>, vector<16xf32>,
      tpu.vector_store %arg8[%swap3A_245], %gather3A_244 {strides = array<i32>} : memref<1024xf32, #tpu.memory_space<vmem>>, vector<16xf32>,
      %get3A_247 = arith.constant 512 : index
      %get3A_248 = tpu.vector_load %arg6[%get3A_247] {strides = array<i32>} : memref<1024xi32, #tpu.memory_space<vmem>>, vector<16xi32>,
      %add3A_249 = arith.addi %get3A_248, %broadcast_in_dim3A : vector<16xi32>
      %gather3A_250 = tpu.vector_load_idx %arg7[%add3A_249] : memref<65536xf32, #tpu.memory_space<vmem>>[vector<16xi32>], vector<16xf32>,
      %swap3A_251 = arith.constant 512 : index
      %swap3A_252 = tpu.vector_load %arg8[%swap3A_251] {strides = array<i32>} : memref<1024xf32, #tpu.memory_space<vmem>>, vector<16xf32>,
      tpu.vector_store %arg8[%swap3A_251], %gather3A_250 {strides = array<i32>} : memref<1024xf32, #tpu.memory_space<vmem>>, vector<16xf32>,
      %get3A_253 = arith.constant 528 : index
      %get3A_254 = tpu.vector_load %arg6[%get3A_253] {strides = array<i32>} : memref<1024xi32, #tpu.memory_space<vmem>>, vector<16xi32>,
      %add3A_255 = arith.addi %get3A_254, %broadcast_in_dim3A : vector<16xi32>
      %gather3A_256 = tpu.vector_load_idx %arg7[%add3A_255] : memref<65536xf32, #tpu.memory_space<vmem>>[vector<16xi32>], vector<16xf32>,
      %swap3A_257 = arith.constant 528 : index
      %swap3A_258 = tpu.vector_load %arg8[%swap3A_257] {strides = array<i32>} : memref<1024xf32, #tpu.memory_space<vmem>>, vector<16xf32>,
      tpu.vector_store %arg8[%swap3A_257], %gather3A_256 {strides = array<i32>} : memref<1024xf32, #tpu.memory_space<vmem>>, vector<16xf32>,
      %get3A_259 = arith.constant 544 : index
      %get3A_260 = tpu.vector_load %arg6[%get3A_259] {strides = array<i32>} : memref<1024xi32, #tpu.memory_space<vmem>>, vector<16xi32>,
      %add3A_261 = arith.addi %get3A_260, %broadcast_in_dim3A : vector<16xi32>
      %gather3A_262 = tpu.vector_load_idx %arg7[%add3A_261] : memref<65536xf32, #tpu.memory_space<vmem>>[vector<16xi32>], vector<16xf32>,
      %swap3A_263 = arith.constant 544 : index
      %swap3A_264 = tpu.vector_load %arg8[%swap3A_263] {strides = array<i32>} : memref<1024xf32, #tpu.memory_space<vmem>>, vector<16xf32>,
      tpu.vector_store %arg8[%swap3A_263], %gather3A_262 {strides = array<i32>} : memref<1024xf32, #tpu.memory_space<vmem>>, vector<16xf32>,
      %get3A_265 = arith.constant 560 : index
      %get3A_266 = tpu.vector_load %arg6[%get3A_265] {strides = array<i32>} : memref<1024xi32, #tpu.memory_space<vmem>>, vector<16xi32>,
      %add3A_267 = arith.addi %get3A_266, %broadcast_in_dim3A : vector<16xi32>
      %gather3A_268 = tpu.vector_load_idx %arg7[%add3A_267] : memref<65536xf32, #tpu.memory_space<vmem>>[vector<16xi32>], vector<16xf32>,
      %swap3A_269 = arith.constant 560 : index
      %swap3A_270 = tpu.vector_load %arg8[%swap3A_269] {strides = array<i32>} : memref<1024xf32, #tpu.memory_space<vmem>>, vector<16xf32>,
      tpu.vector_store %arg8[%swap3A_269], %gather3A_268 {strides = array<i32>} : memref<1024xf32, #tpu.memory_space<vmem>>, vector<16xf32>,
      %get3A_271 = arith.constant 576 : index
      %get3A_272 = tpu.vector_load %arg6[%get3A_271] {strides = array<i32>} : memref<1024xi32, #tpu.memory_space<vmem>>, vector<16xi32>,
      %add3A_273 = arith.addi %get3A_272, %broadcast_in_dim3A : vector<16xi32>
      %gather3A_274 = tpu.vector_load_idx %arg7[%add3A_273] : memref<65536xf32, #tpu.memory_space<vmem>>[vector<16xi32>], vector<16xf32>,
      %swap3A_275 = arith.constant 576 : index
      %swap3A_276 = tpu.vector_load %arg8[%swap3A_275] {strides = array<i32>} : memref<1024xf32, #tpu.memory_space<vmem>>, vector<16xf32>,
      tpu.vector_store %arg8[%swap3A_275], %gather3A_274 {strides = array<i32>} : memref<1024xf32, #tpu.memory_space<vmem>>, vector<16xf32>,
      %get3A_277 = arith.constant 592 : index
      %get3A_278 = tpu.vector_load %arg6[%get3A_277] {strides = array<i32>} : memref<1024xi32, #tpu.memory_space<vmem>>, vector<16xi32>,
      %add3A_279 = arith.addi %get3A_278, %broadcast_in_dim3A : vector<16xi32>
      %gather3A_280 = tpu.vector_load_idx %arg7[%add3A_279] : memref<65536xf32, #tpu.memory_space<vmem>>[vector<16xi32>], vector<16xf32>,
      %swap3A_281 = arith.constant 592 : index
      %swap3A_282 = tpu.vector_load %arg8[%swap3A_281] {strides = array<i32>} : memref<1024xf32, #tpu.memory_space<vmem>>, vector<16xf32>,
      tpu.vector_store %arg8[%swap3A_281], %gather3A_280 {strides = array<i32>} : memref<1024xf32, #tpu.memory_space<vmem>>, vector<16xf32>,
      %get3A_283 = arith.constant 608 : index
      %get3A_284 = tpu.vector_load %arg6[%get3A_283] {strides = array<i32>} : memref<1024xi32, #tpu.memory_space<vmem>>, vector<16xi32>,
      %add3A_285 = arith.addi %get3A_284, %broadcast_in_dim3A : vector<16xi32>
      %gather3A_286 = tpu.vector_load_idx %arg7[%add3A_285] : memref<65536xf32, #tpu.memory_space<vmem>>[vector<16xi32>], vector<16xf32>,
      %swap3A_287 = arith.constant 608 : index
      %swap3A_288 = tpu.vector_load %arg8[%swap3A_287] {strides = array<i32>} : memref<1024xf32, #tpu.memory_space<vmem>>, vector<16xf32>,
      tpu.vector_store %arg8[%swap3A_287], %gather3A_286 {strides = array<i32>} : memref<1024xf32, #tpu.memory_space<vmem>>, vector<16xf32>,
      %get3A_289 = arith.constant 624 : index
      %get3A_290 = tpu.vector_load %arg6[%get3A_289] {strides = array<i32>} : memref<1024xi32, #tpu.memory_space<vmem>>, vector<16xi32>,
      %add3A_291 = arith.addi %get3A_290, %broadcast_in_dim3A : vector<16xi32>
      %gather3A_292 = tpu.vector_load_idx %arg7[%add3A_291] : memref<65536xf32, #tpu.memory_space<vmem>>[vector<16xi32>], vector<16xf32>,
      %swap3A_293 = arith.constant 624 : index
      %swap3A_294 = tpu.vector_load %arg8[%swap3A_293] {strides = array<i32>} : memref<1024xf32, #tpu.memory_space<vmem>>, vector<16xf32>,
      tpu.vector_store %arg8[%swap3A_293], %gather3A_292 {strides = array<i32>} : memref<1024xf32, #tpu.memory_space<vmem>>, vector<16xf32>,
      %get3A_295 = arith.constant 640 : index
      %get3A_296 = tpu.vector_load %arg6[%get3A_295] {strides = array<i32>} : memref<1024xi32, #tpu.memory_space<vmem>>, vector<16xi32>,
      %add3A_297 = arith.addi %get3A_296, %broadcast_in_dim3A : vector<16xi32>
      %gather3A_298 = tpu.vector_load_idx %arg7[%add3A_297] : memref<65536xf32, #tpu.memory_space<vmem>>[vector<16xi32>], vector<16xf32>,
      %swap3A_299 = arith.constant 640 : index
      %swap3A_300 = tpu.vector_load %arg8[%swap3A_299] {strides = array<i32>} : memref<1024xf32, #tpu.memory_space<vmem>>, vector<16xf32>,
      tpu.vector_store %arg8[%swap3A_299], %gather3A_298 {strides = array<i32>} : memref<1024xf32, #tpu.memory_space<vmem>>, vector<16xf32>,
      %get3A_301 = arith.constant 656 : index
      %get3A_302 = tpu.vector_load %arg6[%get3A_301] {strides = array<i32>} : memref<1024xi32, #tpu.memory_space<vmem>>, vector<16xi32>,
      %add3A_303 = arith.addi %get3A_302, %broadcast_in_dim3A : vector<16xi32>
      %gather3A_304 = tpu.vector_load_idx %arg7[%add3A_303] : memref<65536xf32, #tpu.memory_space<vmem>>[vector<16xi32>], vector<16xf32>,
      %swap3A_305 = arith.constant 656 : index
      %swap3A_306 = tpu.vector_load %arg8[%swap3A_305] {strides = array<i32>} : memref<1024xf32, #tpu.memory_space<vmem>>, vector<16xf32>,
      tpu.vector_store %arg8[%swap3A_305], %gather3A_304 {strides = array<i32>} : memref<1024xf32, #tpu.memory_space<vmem>>, vector<16xf32>,
      %get3A_307 = arith.constant 672 : index
      %get3A_308 = tpu.vector_load %arg6[%get3A_307] {strides = array<i32>} : memref<1024xi32, #tpu.memory_space<vmem>>, vector<16xi32>,
      %add3A_309 = arith.addi %get3A_308, %broadcast_in_dim3A : vector<16xi32>
      %gather3A_310 = tpu.vector_load_idx %arg7[%add3A_309] : memref<65536xf32, #tpu.memory_space<vmem>>[vector<16xi32>], vector<16xf32>,
      %swap3A_311 = arith.constant 672 : index
      %swap3A_312 = tpu.vector_load %arg8[%swap3A_311] {strides = array<i32>} : memref<1024xf32, #tpu.memory_space<vmem>>, vector<16xf32>,
      tpu.vector_store %arg8[%swap3A_311], %gather3A_310 {strides = array<i32>} : memref<1024xf32, #tpu.memory_space<vmem>>, vector<16xf32>,
      %get3A_313 = arith.constant 688 : index
      %get3A_314 = tpu.vector_load %arg6[%get3A_313] {strides = array<i32>} : memref<1024xi32, #tpu.memory_space<vmem>>, vector<16xi32>,
      %add3A_315 = arith.addi %get3A_314, %broadcast_in_dim3A : vector<16xi32>
      %gather3A_316 = tpu.vector_load_idx %arg7[%add3A_315] : memref<65536xf32, #tpu.memory_space<vmem>>[vector<16xi32>], vector<16xf32>,
      %swap3A_317 = arith.constant 688 : index
      %swap3A_318 = tpu.vector_load %arg8[%swap3A_317] {strides = array<i32>} : memref<1024xf32, #tpu.memory_space<vmem>>, vector<16xf32>,
      tpu.vector_store %arg8[%swap3A_317], %gather3A_316 {strides = array<i32>} : memref<1024xf32, #tpu.memory_space<vmem>>, vector<16xf32>,
      %get3A_319 = arith.constant 704 : index
      %get3A_320 = tpu.vector_load %arg6[%get3A_319] {strides = array<i32>} : memref<1024xi32, #tpu.memory_space<vmem>>, vector<16xi32>,
      %add3A_321 = arith.addi %get3A_320, %broadcast_in_dim3A : vector<16xi32>
      %gather3A_322 = tpu.vector_load_idx %arg7[%add3A_321] : memref<65536xf32, #tpu.memory_space<vmem>>[vector<16xi32>], vector<16xf32>,
      %swap3A_323 = arith.constant 704 : index
      %swap3A_324 = tpu.vector_load %arg8[%swap3A_323] {strides = array<i32>} : memref<1024xf32, #tpu.memory_space<vmem>>, vector<16xf32>,
      tpu.vector_store %arg8[%swap3A_323], %gather3A_322 {strides = array<i32>} : memref<1024xf32, #tpu.memory_space<vmem>>, vector<16xf32>,
      %get3A_325 = arith.constant 720 : index
      %get3A_326 = tpu.vector_load %arg6[%get3A_325] {strides = array<i32>} : memref<1024xi32, #tpu.memory_space<vmem>>, vector<16xi32>,
      %add3A_327 = arith.addi %get3A_326, %broadcast_in_dim3A : vector<16xi32>
      %gather3A_328 = tpu.vector_load_idx %arg7[%add3A_327] : memref<65536xf32, #tpu.memory_space<vmem>>[vector<16xi32>], vector<16xf32>,
      %swap3A_329 = arith.constant 720 : index
      %swap3A_330 = tpu.vector_load %arg8[%swap3A_329] {strides = array<i32>} : memref<1024xf32, #tpu.memory_space<vmem>>, vector<16xf32>,
      tpu.vector_store %arg8[%swap3A_329], %gather3A_328 {strides = array<i32>} : memref<1024xf32, #tpu.memory_space<vmem>>, vector<16xf32>,
      %get3A_331 = arith.constant 736 : index
      %get3A_332 = tpu.vector_load %arg6[%get3A_331] {strides = array<i32>} : memref<1024xi32, #tpu.memory_space<vmem>>, vector<16xi32>,
      %add3A_333 = arith.addi %get3A_332, %broadcast_in_dim3A : vector<16xi32>
      %gather3A_334 = tpu.vector_load_idx %arg7[%add3A_333] : memref<65536xf32, #tpu.memory_space<vmem>>[vector<16xi32>], vector<16xf32>,
      %swap3A_335 = arith.constant 736 : index
      %swap3A_336 = tpu.vector_load %arg8[%swap3A_335] {strides = array<i32>} : memref<1024xf32, #tpu.memory_space<vmem>>, vector<16xf32>,
      tpu.vector_store %arg8[%swap3A_335], %gather3A_334 {strides = array<i32>} : memref<1024xf32, #tpu.memory_space<vmem>>, vector<16xf32>,
      %get3A_337 = arith.constant 752 : index
      %get3A_338 = tpu.vector_load %arg6[%get3A_337] {strides = array<i32>} : memref<1024xi32, #tpu.memory_space<vmem>>, vector<16xi32>,
      %add3A_339 = arith.addi %get3A_338, %broadcast_in_dim3A : vector<16xi32>
      %gather3A_340 = tpu.vector_load_idx %arg7[%add3A_339] : memref<65536xf32, #tpu.memory_space<vmem>>[vector<16xi32>], vector<16xf32>,
      %swap3A_341 = arith.constant 752 : index
      %swap3A_342 = tpu.vector_load %arg8[%swap3A_341] {strides = array<i32>} : memref<1024xf32, #tpu.memory_space<vmem>>, vector<16xf32>,
      tpu.vector_store %arg8[%swap3A_341], %gather3A_340 {strides = array<i32>} : memref<1024xf32, #tpu.memory_space<vmem>>, vector<16xf32>,
      %get3A_343 = arith.constant 768 : index
      %get3A_344 = tpu.vector_load %arg6[%get3A_343] {strides = array<i32>} : memref<1024xi32, #tpu.memory_space<vmem>>, vector<16xi32>,
      %add3A_345 = arith.addi %get3A_344, %broadcast_in_dim3A : vector<16xi32>
      %gather3A_346 = tpu.vector_load_idx %arg7[%add3A_345] : memref<65536xf32, #tpu.memory_space<vmem>>[vector<16xi32>], vector<16xf32>,
      %swap3A_347 = arith.constant 768 : index
      %swap3A_348 = tpu.vector_load %arg8[%swap3A_347] {strides = array<i32>} : memref<1024xf32, #tpu.memory_space<vmem>>, vector<16xf32>,
      tpu.vector_store %arg8[%swap3A_347], %gather3A_346 {strides = array<i32>} : memref<1024xf32, #tpu.memory_space<vmem>>, vector<16xf32>,
      %get3A_349 = arith.constant 784 : index
      %get3A_350 = tpu.vector_load %arg6[%get3A_349] {strides = array<i32>} : memref<1024xi32, #tpu.memory_space<vmem>>, vector<16xi32>,
      %add3A_351 = arith.addi %get3A_350, %broadcast_in_dim3A : vector<16xi32>
      %gather3A_352 = tpu.vector_load_idx %arg7[%add3A_351] : memref<65536xf32, #tpu.memory_space<vmem>>[vector<16xi32>], vector<16xf32>,
      %swap3A_353 = arith.constant 784 : index
      %swap3A_354 = tpu.vector_load %arg8[%swap3A_353] {strides = array<i32>} : memref<1024xf32, #tpu.memory_space<vmem>>, vector<16xf32>,
      tpu.vector_store %arg8[%swap3A_353], %gather3A_352 {strides = array<i32>} : memref<1024xf32, #tpu.memory_space<vmem>>, vector<16xf32>,
      %get3A_355 = arith.constant 800 : index
      %get3A_356 = tpu.vector_load %arg6[%get3A_355] {strides = array<i32>} : memref<1024xi32, #tpu.memory_space<vmem>>, vector<16xi32>,
      %add3A_357 = arith.addi %get3A_356, %broadcast_in_dim3A : vector<16xi32>
      %gather3A_358 = tpu.vector_load_idx %arg7[%add3A_357] : memref<65536xf32, #tpu.memory_space<vmem>>[vector<16xi32>], vector<16xf32>,
      %swap3A_359 = arith.constant 800 : index
      %swap3A_360 = tpu.vector_load %arg8[%swap3A_359] {strides = array<i32>} : memref<1024xf32, #tpu.memory_space<vmem>>, vector<16xf32>,
      tpu.vector_store %arg8[%swap3A_359], %gather3A_358 {strides = array<i32>} : memref<1024xf32, #tpu.memory_space<vmem>>, vector<16xf32>,
      %get3A_361 = arith.constant 816 : index
      %get3A_362 = tpu.vector_load %arg6[%get3A_361] {strides = array<i32>} : memref<1024xi32, #tpu.memory_space<vmem>>, vector<16xi32>,
      %add3A_363 = arith.addi %get3A_362, %broadcast_in_dim3A : vector<16xi32>
      %gather3A_364 = tpu.vector_load_idx %arg7[%add3A_363] : memref<65536xf32, #tpu.memory_space<vmem>>[vector<16xi32>], vector<16xf32>,
      %swap3A_365 = arith.constant 816 : index
      %swap3A_366 = tpu.vector_load %arg8[%swap3A_365] {strides = array<i32>} : memref<1024xf32, #tpu.memory_space<vmem>>, vector<16xf32>,
      tpu.vector_store %arg8[%swap3A_365], %gather3A_364 {strides = array<i32>} : memref<1024xf32, #tpu.memory_space<vmem>>, vector<16xf32>,
      %get3A_367 = arith.constant 832 : index
      %get3A_368 = tpu.vector_load %arg6[%get3A_367] {strides = array<i32>} : memref<1024xi32, #tpu.memory_space<vmem>>, vector<16xi32>,
      %add3A_369 = arith.addi %get3A_368, %broadcast_in_dim3A : vector<16xi32>
      %gather3A_370 = tpu.vector_load_idx %arg7[%add3A_369] : memref<65536xf32, #tpu.memory_space<vmem>>[vector<16xi32>], vector<16xf32>,
      %swap3A_371 = arith.constant 832 : index
      %swap3A_372 = tpu.vector_load %arg8[%swap3A_371] {strides = array<i32>} : memref<1024xf32, #tpu.memory_space<vmem>>, vector<16xf32>,
      tpu.vector_store %arg8[%swap3A_371], %gather3A_370 {strides = array<i32>} : memref<1024xf32, #tpu.memory_space<vmem>>, vector<16xf32>,
      %get3A_373 = arith.constant 848 : index
      %get3A_374 = tpu.vector_load %arg6[%get3A_373] {strides = array<i32>} : memref<1024xi32, #tpu.memory_space<vmem>>, vector<16xi32>,
      %add3A_375 = arith.addi %get3A_374, %broadcast_in_dim3A : vector<16xi32>
      %gather3A_376 = tpu.vector_load_idx %arg7[%add3A_375] : memref<65536xf32, #tpu.memory_space<vmem>>[vector<16xi32>], vector<16xf32>,
      %swap3A_377 = arith.constant 848 : index
      %swap3A_378 = tpu.vector_load %arg8[%swap3A_377] {strides = array<i32>} : memref<1024xf32, #tpu.memory_space<vmem>>, vector<16xf32>,
      tpu.vector_store %arg8[%swap3A_377], %gather3A_376 {strides = array<i32>} : memref<1024xf32, #tpu.memory_space<vmem>>, vector<16xf32>,
      %get3A_379 = arith.constant 864 : index
      %get3A_380 = tpu.vector_load %arg6[%get3A_379] {strides = array<i32>} : memref<1024xi32, #tpu.memory_space<vmem>>, vector<16xi32>,
      %add3A_381 = arith.addi %get3A_380, %broadcast_in_dim3A : vector<16xi32>
      %gather3A_382 = tpu.vector_load_idx %arg7[%add3A_381] : memref<65536xf32, #tpu.memory_space<vmem>>[vector<16xi32>], vector<16xf32>,
      %swap3A_383 = arith.constant 864 : index
      %swap3A_384 = tpu.vector_load %arg8[%swap3A_383] {strides = array<i32>} : memref<1024xf32, #tpu.memory_space<vmem>>, vector<16xf32>,
      tpu.vector_store %arg8[%swap3A_383], %gather3A_382 {strides = array<i32>} : memref<1024xf32, #tpu.memory_space<vmem>>, vector<16xf32>,
      %get3A_385 = arith.constant 880 : index
      %get3A_386 = tpu.vector_load %arg6[%get3A_385] {strides = array<i32>} : memref<1024xi32, #tpu.memory_space<vmem>>, vector<16xi32>,
      %add3A_387 = arith.addi %get3A_386, %broadcast_in_dim3A : vector<16xi32>
      %gather3A_388 = tpu.vector_load_idx %arg7[%add3A_387] : memref<65536xf32, #tpu.memory_space<vmem>>[vector<16xi32>], vector<16xf32>,
      %swap3A_389 = arith.constant 880 : index
      %swap3A_390 = tpu.vector_load %arg8[%swap3A_389] {strides = array<i32>} : memref<1024xf32, #tpu.memory_space<vmem>>, vector<16xf32>,
      tpu.vector_store %arg8[%swap3A_389], %gather3A_388 {strides = array<i32>} : memref<1024xf32, #tpu.memory_space<vmem>>, vector<16xf32>,
      %get3A_391 = arith.constant 896 : index
      %get3A_392 = tpu.vector_load %arg6[%get3A_391] {strides = array<i32>} : memref<1024xi32, #tpu.memory_space<vmem>>, vector<16xi32>,
      %add3A_393 = arith.addi %get3A_392, %broadcast_in_dim3A : vector<16xi32>
      %gather3A_394 = tpu.vector_load_idx %arg7[%add3A_393] : memref<65536xf32, #tpu.memory_space<vmem>>[vector<16xi32>], vector<16xf32>,
      %swap3A_395 = arith.constant 896 : index
      %swap3A_396 = tpu.vector_load %arg8[%swap3A_395] {strides = array<i32>} : memref<1024xf32, #tpu.memory_space<vmem>>, vector<16xf32>,
      tpu.vector_store %arg8[%swap3A_395], %gather3A_394 {strides = array<i32>} : memref<1024xf32, #tpu.memory_space<vmem>>, vector<16xf32>,
      %get3A_397 = arith.constant 912 : index
      %get3A_398 = tpu.vector_load %arg6[%get3A_397] {strides = array<i32>} : memref<1024xi32, #tpu.memory_space<vmem>>, vector<16xi32>,
      %add3A_399 = arith.addi %get3A_398, %broadcast_in_dim3A : vector<16xi32>
      %gather3A_400 = tpu.vector_load_idx %arg7[%add3A_399] : memref<65536xf32, #tpu.memory_space<vmem>>[vector<16xi32>], vector<16xf32>,
      %swap3A_401 = arith.constant 912 : index
      %swap3A_402 = tpu.vector_load %arg8[%swap3A_401] {strides = array<i32>} : memref<1024xf32, #tpu.memory_space<vmem>>, vector<16xf32>,
      tpu.vector_store %arg8[%swap3A_401], %gather3A_400 {strides = array<i32>} : memref<1024xf32, #tpu.memory_space<vmem>>, vector<16xf32>,
      %get3A_403 = arith.constant 928 : index
      %get3A_404 = tpu.vector_load %arg6[%get3A_403] {strides = array<i32>} : memref<1024xi32, #tpu.memory_space<vmem>>, vector<16xi32>,
      %add3A_405 = arith.addi %get3A_404, %broadcast_in_dim3A : vector<16xi32>
      %gather3A_406 = tpu.vector_load_idx %arg7[%add3A_405] : memref<65536xf32, #tpu.memory_space<vmem>>[vector<16xi32>], vector<16xf32>,
      %swap3A_407 = arith.constant 928 : index
      %swap3A_408 = tpu.vector_load %arg8[%swap3A_407] {strides = array<i32>} : memref<1024xf32, #tpu.memory_space<vmem>>, vector<16xf32>,
      tpu.vector_store %arg8[%swap3A_407], %gather3A_406 {strides = array<i32>} : memref<1024xf32, #tpu.memory_space<vmem>>, vector<16xf32>,
      %get3A_409 = arith.constant 944 : index
      %get3A_410 = tpu.vector_load %arg6[%get3A_409] {strides = array<i32>} : memref<1024xi32, #tpu.memory_space<vmem>>, vector<16xi32>,
      %add3A_411 = arith.addi %get3A_410, %broadcast_in_dim3A : vector<16xi32>
      %gather3A_412 = tpu.vector_load_idx %arg7[%add3A_411] : memref<65536xf32, #tpu.memory_space<vmem>>[vector<16xi32>], vector<16xf32>,
      %swap3A_413 = arith.constant 944 : index
      %swap3A_414 = tpu.vector_load %arg8[%swap3A_413] {strides = array<i32>} : memref<1024xf32, #tpu.memory_space<vmem>>, vector<16xf32>,
      tpu.vector_store %arg8[%swap3A_413], %gather3A_412 {strides = array<i32>} : memref<1024xf32, #tpu.memory_space<vmem>>, vector<16xf32>,
      %get3A_415 = arith.constant 960 : index
      %get3A_416 = tpu.vector_load %arg6[%get3A_415] {strides = array<i32>} : memref<1024xi32, #tpu.memory_space<vmem>>, vector<16xi32>,
      %add3A_417 = arith.addi %get3A_416, %broadcast_in_dim3A : vector<16xi32>
      %gather3A_418 = tpu.vector_load_idx %arg7[%add3A_417] : memref<65536xf32, #tpu.memory_space<vmem>>[vector<16xi32>], vector<16xf32>,
      %swap3A_419 = arith.constant 960 : index
      %swap3A_420 = tpu.vector_load %arg8[%swap3A_419] {strides = array<i32>} : memref<1024xf32, #tpu.memory_space<vmem>>, vector<16xf32>,
      tpu.vector_store %arg8[%swap3A_419], %gather3A_418 {strides = array<i32>} : memref<1024xf32, #tpu.memory_space<vmem>>, vector<16xf32>,
      %get3A_421 = arith.constant 976 : index
      %get3A_422 = tpu.vector_load %arg6[%get3A_421] {strides = array<i32>} : memref<1024xi32, #tpu.memory_space<vmem>>, vector<16xi32>,
      %add3A_423 = arith.addi %get3A_422, %broadcast_in_dim3A : vector<16xi32>
      %gather3A_424 = tpu.vector_load_idx %arg7[%add3A_423] : memref<65536xf32, #tpu.memory_space<vmem>>[vector<16xi32>], vector<16xf32>,
      %swap3A_425 = arith.constant 976 : index
      %swap3A_426 = tpu.vector_load %arg8[%swap3A_425] {strides = array<i32>} : memref<1024xf32, #tpu.memory_space<vmem>>, vector<16xf32>,
      tpu.vector_store %arg8[%swap3A_425], %gather3A_424 {strides = array<i32>} : memref<1024xf32, #tpu.memory_space<vmem>>, vector<16xf32>,
      %get3A_427 = arith.constant 992 : index
      %get3A_428 = tpu.vector_load %arg6[%get3A_427] {strides = array<i32>} : memref<1024xi32, #tpu.memory_space<vmem>>, vector<16xi32>,
      %add3A_429 = arith.addi %get3A_428, %broadcast_in_dim3A : vector<16xi32>
      %gather3A_430 = tpu.vector_load_idx %arg7[%add3A_429] : memref<65536xf32, #tpu.memory_space<vmem>>[vector<16xi32>], vector<16xf32>,
      %swap3A_431 = arith.constant 992 : index
      %swap3A_432 = tpu.vector_load %arg8[%swap3A_431] {strides = array<i32>} : memref<1024xf32, #tpu.memory_space<vmem>>, vector<16xf32>,
      tpu.vector_store %arg8[%swap3A_431], %gather3A_430 {strides = array<i32>} : memref<1024xf32, #tpu.memory_space<vmem>>, vector<16xf32>,
      %get3A_433 = arith.constant 1008 : index
      %get3A_434 = tpu.vector_load %arg6[%get3A_433] {strides = array<i32>} : memref<1024xi32, #tpu.memory_space<vmem>>, vector<16xi32>,
      %add3A_435 = arith.addi %get3A_434, %broadcast_in_dim3A : vector<16xi32>
      %gather3A_436 = tpu.vector_load_idx %arg7[%add3A_435] : memref<65536xf32, #tpu.memory_space<vmem>>[vector<16xi32>], vector<16xf32>,
      %swap3A_437 = arith.constant 1008 : index
      %swap3A_438 = tpu.vector_load %arg8[%swap3A_437] {strides = array<i32>} : memref<1024xf32, #tpu.memory_space<vmem>>, vector<16xf32>,
      tpu.vector_store %arg8[%swap3A_437], %gather3A_436 {strides = array<i32>} : memref<1024xf32, #tpu.memory_space<vmem>>, vector<16xf32>,
      %mul3A_439 = arith.constant 256 : i32
      %mul3A_440 = arith.muli %select_n3A, %mul3A_439 : i32
      %add3A_441 = arith.addi %mul3A_440, %add3A_44 : i32
      %add3A_442 = arith.addi %add3A_441, %scan3A_54 : i32
      %mul3A_443 = arith.constant 1024 : i32
      %mul3A_444 = arith.muli %add3A_442, %mul3A_443 : i32
      "tpu.region"() ({
        %run_scoped3A = tpu.sem_alloc : memref<!tpu.dma_semaphore, #tpu.memory_space<semaphore_mem>>
        %dma_start3A = tpu.memref_slice %arg4[%mul3A_444] : memref<4194304xf32, #tpu.memory_space<hbm>> -> memref<1024xf32, #tpu.memory_space<hbm>>
        %dma_start3A_446 = tpu.memref_slice %arg4[%mul3A_444] : memref<4194304xf32, #tpu.memory_space<hbm>> -> memref<1024xf32, #tpu.memory_space<hbm>>
        tpu.enqueue_dma source(%arg8 : memref<1024xf32, #tpu.memory_space<vmem>>) target(%dma_start3A_446 : memref<1024xf32, #tpu.memory_space<hbm>>) target_semaphore(%run_scoped3A : memref<!tpu.dma_semaphore, #tpu.memory_space<semaphore_mem>>)
        %dma_wait3A = tpu.memref_slice %arg4[%mul3A_444] : memref<4194304xf32, #tpu.memory_space<hbm>> -> memref<1024xf32, #tpu.memory_space<hbm>>
        %dma_wait3A_447 = tpu.memref_slice %arg4[%mul3A_444] : memref<4194304xf32, #tpu.memory_space<hbm>> -> memref<1024xf32, #tpu.memory_space<hbm>>
        tpu.wait_dma2 semaphore(%run_scoped3A : memref<!tpu.dma_semaphore, #tpu.memory_space<semaphore_mem>>) src(%arg8 : memref<1024xf32, #tpu.memory_space<vmem>>) dst(%dma_wait3A_447 : memref<1024xf32, #tpu.memory_space<hbm>>)
        tpu.yield
      }) : () -> ()
      "tpu.region"() ({
        %run_scoped3A = tpu.sem_alloc : memref<!tpu.dma_semaphore, #tpu.memory_space<semaphore_mem>>
        %dma_start3A = tpu.memref_slice %arg5[%mul3A_444] : memref<4194304xf32, #tpu.memory_space<hbm>> -> memref<1024xf32, #tpu.memory_space<hbm>>
        %dma_start3A_446 = tpu.memref_slice %arg5[%mul3A_444] : memref<4194304xf32, #tpu.memory_space<hbm>> -> memref<1024xf32, #tpu.memory_space<hbm>>
        tpu.enqueue_dma source(%arg8 : memref<1024xf32, #tpu.memory_space<vmem>>) target(%dma_start3A_446 : memref<1024xf32, #tpu.memory_space<hbm>>) target_semaphore(%run_scoped3A : memref<!tpu.dma_semaphore, #tpu.memory_space<semaphore_mem>>)
        %dma_wait3A = tpu.memref_slice %arg5[%mul3A_444] : memref<4194304xf32, #tpu.memory_space<hbm>> -> memref<1024xf32, #tpu.memory_space<hbm>>
        %dma_wait3A_447 = tpu.memref_slice %arg5[%mul3A_444] : memref<4194304xf32, #tpu.memory_space<hbm>> -> memref<1024xf32, #tpu.memory_space<hbm>>
        tpu.wait_dma2 semaphore(%run_scoped3A : memref<!tpu.dma_semaphore, #tpu.memory_space<semaphore_mem>>) src(%arg8 : memref<1024xf32, #tpu.memory_space<vmem>>) dst(%dma_wait3A_447 : memref<1024xf32, #tpu.memory_space<hbm>>)
        tpu.yield
      }) : () -> ()
      %scan3A_445 = arith.constant 0 : i32
      scf.yield %scan3A_445 : i32
    }
    %scan3A_53 = arith.constant 64 : i32
    return
  }
}

module attributes {stable_mosaic.version = 14 : i64} {
  func.func @_argmin_body(%arg0: i32, %arg1: memref<1x256x1024xf32, #tpu.memory_space<vmem>>, %arg2: memref<1024x256xf32, #tpu.memory_space<vmem>>, %arg3: memref<1x1x1024xi32, #tpu.memory_space<vmem>>) attributes {dimension_semantics = [#tpu.dimension_semantics<arbitrary>], iteration_bounds = array<i64: 16>, scalar_prefetch = 0 : i64, scratch_operands = 0 : i64, tpu.core_type = #tpu.core_type<tc>, window_params = [{transform_indices = @transform_0, window_bounds = array<i64: 1, 256, 1024>}, {pipeline_mode = #tpu.pipeline_mode<synchronous>, transform_indices = @transform_1, window_bounds = array<i64: 1024, 256>}, {transform_indices = @transform_2, window_bounds = array<i64: 1, 1, 1024>}]} {
    %get3A = arith.constant 0 : index
    %get3A_0 = arith.constant 0 : index
    %get3A_1 = arith.constant 0 : index
    %get3A_2 = vector.load %arg1[%get3A, %get3A_0, %get3A_1] : memref<1x256x1024xf32, #tpu.memory_space<vmem>>, vector<1x256x1024xf32>
    %get3A_3 = vector.shape_cast %get3A_2 : vector<1x256x1024xf32> to vector<256x1024xf32>
    %get3A_4 = arith.constant 0 : index
    %get3A_5 = arith.constant 0 : index
    %get3A_6 = vector.load %arg2[%get3A_4, %get3A_5] : memref<1024x256xf32, #tpu.memory_space<vmem>>, vector<1024x256xf32>
    %mul3A = arith.mulf %get3A_3, %get3A_3 : vector<256x1024xf32>
    %reduce_sum3A = arith.constant dense<0.000000e+00> : vector<1024xf32>
    %reduce_sum3A_7 = vector.multi_reduction <add>, %mul3A, %reduce_sum3A [0] : vector<256x1024xf32> to vector<1024xf32>
    %mul3A_8 = arith.mulf %get3A_6, %get3A_6 : vector<1024x256xf32>
    %reduce_sum3A_9 = arith.constant dense<0.000000e+00> : vector<1024xf32>
    %reduce_sum3A_10 = vector.multi_reduction <add>, %mul3A_8, %reduce_sum3A_9 [1] : vector<1024x256xf32> to vector<1024xf32>
    %mul3A_11 = arith.constant -2.000000e+00 : f32
    %mul3A_12 = vector.broadcast %mul3A_11 : f32 to vector<256x1024xf32>
    %mul3A_13 = arith.mulf %mul3A_12, %get3A_3 : vector<256x1024xf32>
    %dot_general3A = arith.constant dense<0.000000e+00> : vector<1024x1024xf32>
    %dot_general3A_14 = tpu.matmul %mul3A_13, %get3A_6, %dot_general3A {dimension_numbers = #tpu.dot_dimension_numbers<[0], [1], [1], [0], [0, 1, 1, 0], [], []>, transpose_lhs_hint = false} : vector<256x1024xf32>, vector<1024x256xf32>, vector<1024x1024xf32> -> vector<1024x1024xf32>
    %broadcast_in_dim3A = vector.shape_cast %reduce_sum3A_7 : vector<1024xf32> to vector<1024x1xf32>
    %broadcast_in_dim3A_15 = vector.shape_cast %reduce_sum3A_10 : vector<1024xf32> to vector<1x1024xf32>
    %add3A = vector.broadcast %broadcast_in_dim3A : vector<1024x1xf32> to vector<1024x1024xf32>
    %add3A_16 = vector.broadcast %broadcast_in_dim3A_15 : vector<1x1024xf32> to vector<1024x1024xf32>
    %add3A_17 = arith.addf %add3A, %add3A_16 : vector<1024x1024xf32>
    %add3A_18 = arith.addf %add3A_17, %dot_general3A_14 : vector<1024x1024xf32>
    %reduce_min3A = arith.constant dense<0x7F800000> : vector<1024xf32>
    %reduce_min3A_19 = vector.multi_reduction <minimumf>, %add3A_18, %reduce_min3A [1] : vector<1024x1024xf32> to vector<1024xf32>
    %broadcast_in_dim3A_20 = vector.shape_cast %reduce_min3A_19 : vector<1024xf32> to vector<1024x1xf32>
    %iota3A = tpu.iota {dimensions = array<i32: 1>} : vector<1024x1024xi32>
    %eq3A = vector.broadcast %broadcast_in_dim3A_20 : vector<1024x1xf32> to vector<1024x1024xf32>
    %eq3A_21 = arith.cmpf oeq, %add3A_18, %eq3A : vector<1024x1024xf32>
    %jit3A = arith.constant 1024 : i32
    %broadcast_in_dim3A_22 = vector.broadcast %jit3A : i32 to vector<1024x1024xi32>
    %select_n3A = arith.select %eq3A_21, %iota3A, %broadcast_in_dim3A_22 : vector<1024x1024xi1>, vector<1024x1024xi32>
    %reduce_min3A_23 = arith.constant dense<2147483647> : vector<1024xi32>
    %reduce_min3A_24 = vector.multi_reduction <minsi>, %select_n3A, %reduce_min3A_23 [1] : vector<1024x1024xi32> to vector<1024xi32>
    %broadcast_in_dim3A_25 = vector.shape_cast %reduce_min3A_24 : vector<1024xi32> to vector<1x1x1024xi32>
    %swap3A = arith.constant 0 : index
    %swap3A_26 = arith.constant 0 : index
    %swap3A_27 = arith.constant 0 : index
    %swap3A_28 = vector.load %arg3[%swap3A, %swap3A_26, %swap3A_27] : memref<1x1x1024xi32, #tpu.memory_space<vmem>>, vector<1x1x1024xi32>
    tpu.vector_store %arg3[%swap3A, %swap3A_26, %swap3A_27], %broadcast_in_dim3A_25 {strides = array<i32>} : memref<1x1x1024xi32, #tpu.memory_space<vmem>>, vector<1x1x1024xi32>,
    return
  }
  func.func @transform_0(%arg0: i32) -> (i32, i32, i32) {
    %c0_i32 = arith.constant 0 : i32
    %c0_i32_0 = arith.constant 0 : i32
    %c0_i32_1 = arith.constant 0 : i32
    return %arg0, %c0_i32, %c0_i32_0 : i32, i32, i32
  }
  func.func @transform_1(%arg0: i32) -> (i32, i32) {
    %c0_i32 = arith.constant 0 : i32
    %c0_i32_0 = arith.constant 0 : i32
    %c0_i32_1 = arith.constant 0 : i32
    return %c0_i32, %c0_i32_0 : i32, i32
  }
  func.func @transform_2(%arg0: i32) -> (i32, i32, i32) {
    %c0_i32 = arith.constant 0 : i32
    %c0_i32_0 = arith.constant 0 : i32
    %c0_i32_1 = arith.constant 0 : i32
    return %arg0, %c0_i32, %c0_i32_0 : i32, i32, i32
  }
}

</mosaic_0001>

<sc_bundles>
// kernel: kernel.4.cloned.1.call-start
scs
__scs_entry_jumppad:
0x0: {  	(pc) =	sbr.rel $0x88, $3  }
0x1: {  	(tag) =	ssettag $0x0;
	lr =	simm.s32 $0x1  }
0x2: {  	[smem:$0x3F9F] =	sst lr;
	_ =	strace $0xD0000000  }
0x3: {  	_ = 	snop  }
0x4: {  	_ = 	snop  }
0x5: {  	_ = 	snop  }
0x6: {  	_ = 	snop  }
0x7: {  	_ = 	snop  }
__scs_overlays_trampoline_lowered:
0x8: {  	[smem:$0x3FAE] =	sst s0  }
0x9: {  	[smem:$0x3FAF] =	sst s1  }
0xa: {  	[smem:$0x3FB0] =	sst s2  }
0xb: {  	[smem:$0x3FB1] =	sst s3  }
0xc: {  	[smem:$0x3FB2] =	sst s4  }
0xd: {  	[smem:$0x3FB3] =	sst s5  }
0xe: {  	[smem:$0x3FB4] =	sst s6  }
0xf: {  	[smem:$0x3FB5] =	sst s7  }
0x10: {  	[smem:$0x3FB6] =	sst s8  }
0x11: {  	[smem:$0x3FB7] =	sst s9;
	s0 =	simm.s32 @!p0 $0x0  }
0x12: {  	s1 =	sld [smem:$0x3F9D];
	s0 =	simm.s32 @p0 $0x1  }
0x13: {  	[smem:$0x3FB8] =	sst s0;
	s0 =	simm.s32 @!p1 $0x0  }
0x14: {  	s2 =	sld [smem:$0x3F9C];
	s0 =	simm.s32 @p1 $0x1  }
0x15: {  	[smem:$0x3FB9] =	sst s0;
	s0 =	simm.s32 @!p2 $0x0  }
0x16: {  	s3 =	sld [smem:$0x3FDB];
	s0 =	simm.s32 @p2 $0x1  }
0x17: {  	s4 =	simm.s32 $0x1BF5;
	[smem:$0x3FBB] =	sst s0  }
0x18: {  	s0 =	sld [smem:$0x3F9E];
	_ =	swait.ge [sflag:s4], $0x0  }
0x19: {  	s7 =	sld [smem:$0x3F9F]  }
0x1a: {  	s8 =	sadd.s32 $0xFFFFE003, lr  }
0x1b: {  	s9 =	sadd.s32 $0xFFFFFEF7, lr;
	s5 =	simm.s32 $0xFFFFFFFF;
	p2 =	slt.u32 s8, $0xFFFFF086  }
0x1c: {  	p1 =	slt.u32 s9, $0xF7A;
	s5 =	simm.s32 @!p2 $0x0  }
0x1d: {  	s5 =	simm.s32 @p1 $0x1;
	p0 =	seq.s32 s7, s2  }
0x1e: {  	s7 =	smul.u32 @!p0 $0xF7A, s2;
	p2 =	seq.s32 @!p0 s5, $0x0  }
0x1f: {  	s9 =	smul.u32 $0xF7A, s1;
	s8 =	simm.s32 @!p0 $0x1BF5;
	p2 =	por !p2, p0  }
0x20: {  	[sflag:s8] =	ssyncset.s32 @!p0 $0xFFFFF086;
	s6 =	sadd.s32 @!p0 s3, s7;
	s7 =	simm.s32 @!p0 $0x108  }
0x21: {  	s3 =	sadd.s32 s3, s9;
	s6 =	sadd.s32 @!p0 $0x88, s6;
	s7 =	simm.s32 @p2 $0x1082  }
0x22: {  	[simem:s7], [sflag:s8] =	dma.local @!p0 [hbm:s6], $0xF7A  }
0x23: {  	s9 =	sor.u32 $0xD0000000, s2;
	s6 =	simm.s32 $0x108;
	_ =	swait.ge @!p0 [sflag:s8], $0x0  }
0x24: {  	s3 =	sadd.s32 $0x88, s3;
	s6 =	simm.s32 @!p1 $0x1082;
	[sflag:s4] =	ssyncset.s32 $0xFFFFF086  }
0x25: {  	[simem:s6], [sflag:s4] =	dma.local [hbm:s3], $0xF7A  }
0x26: {  	[smem:$0x3F9F] =	sst s1;
	(tag) =	ssettag s2;
	_ =	strace s9  }
0x27: {  	s1 =	sld [smem:$0x3FAF]  }
0x28: {  	s2 =	sld [smem:$0x3FB0]  }
0x29: {  	s4 =	sld [smem:$0x3FB2]  }
0x2a: {  	p0 =	seq.s32 s5, $0x0;
	s5 =	sld [smem:$0x3FB3]  }
0x2b: {  	s6 =	sld [smem:$0x3FB4]  }
0x2c: {  	s7 =	sld [smem:$0x3FB5]  }
0x2d: {  	s3 =	simm.s32 $0x108;
	s8 =	sld [smem:$0x3FB6]  }
0x2e: {  	s3 =	simm.s32 @!p0 $0x1082;
	s9 =	sld [smem:$0x3FB7]  }
0x2f: {  	lr =	sadd.s32 s0, s3;
	s0 =	sld [smem:$0x3FAE]  }
0x30: {  	s3 =	sld [smem:$0x3FB1]  }
0x31: {  	[smem:$0x3FBA] =	sst s10  }
0x32: {  	s10 =	sld [smem:$0x3FB8];
	_ =	sdelay $0x3  }
0x33: {  	p0 =	seq.s32 s10, $0x1;
	s10 =	sld [smem:$0x3FBA];
	_ =	sdelay $0x3  }
0x34: {  	[smem:$0x3FBA] =	sst s10  }
0x35: {  	s10 =	sld [smem:$0x3FB9];
	_ =	sdelay $0x3  }
0x36: {  	p1 =	seq.s32 s10, $0x1;
	s10 =	sld [smem:$0x3FBA];
	_ =	sdelay $0x3  }
0x37: {  	[smem:$0x3FBA] =	sst s10  }
0x38: {  	s10 =	sld [smem:$0x3FBB]  }
0x39: {  	_ = 	snop;
	(pc) =	sbr.ind lr, $3  }
0x3a: {  	_ = 	snop  }
0x3b: {  	_ = 	snop  }
0x3c: {  	p2 =	seq.s32 s10, $0x1;
	s10 =	sld [smem:$0x3FBA]  }
0x3d: {  	_ =	shalt  }
0x3e: {  	_ =	shalt  }
0x3f: {  	_ =	shalt  }
0x40: {  	_ =	shalt  }
0x41: {  	_ =	shalt  }
0x42: {  	_ =	shalt  }
0x43: {  	_ =	shalt  }
0x44: {  	_ =	shalt  }
0x45: {  	_ =	shalt  }
0x46: {  	_ =	shalt  }
0x47: {  	_ =	shalt  }
0x48: {  	_ =	shalt  }
0x49: {  	_ =	shalt  }
0x4a: {  	_ =	shalt  }
0x4b: {  	_ =	shalt  }
0x4c: {  	_ =	shalt  }
0x4d: {  	_ =	shalt  }
0x4e: {  	_ =	shalt  }
0x4f: {  	_ =	shalt  }
0x50: {  	_ =	shalt  }
0x51: {  	_ =	shalt  }
0x52: {  	_ =	shalt  }
0x53: {  	_ =	shalt  }
0x54: {  	_ =	shalt  }
0x55: {  	_ =	shalt  }
0x56: {  	_ =	shalt  }
0x57: {  	_ =	shalt  }
0x58: {  	_ =	shalt  }
0x59: {  	_ =	shalt  }
0x5a: {  	_ =	shalt  }
0x5b: {  	_ =	shalt  }
0x5c: {  	_ =	shalt  }
0x5d: {  	_ =	shalt  }
0x5e: {  	_ =	shalt  }
0x5f: {  	_ =	shalt  }
0x60: {  	_ =	shalt  }
0x61: {  	_ =	shalt  }
0x62: {  	_ =	shalt  }
0x63: {  	_ =	shalt  }
0x64: {  	_ =	shalt  }
0x65: {  	_ =	shalt  }
0x66: {  	_ =	shalt  }
0x67: {  	_ =	shalt  }
0x68: {  	_ =	shalt  }
0x69: {  	_ =	shalt  }
0x6a: {  	_ =	shalt  }
0x6b: {  	_ =	shalt  }
0x6c: {  	_ =	shalt  }
0x6d: {  	_ =	shalt  }
0x6e: {  	_ =	shalt  }
0x6f: {  	_ =	shalt  }
0x70: {  	_ =	shalt  }
0x71: {  	_ =	shalt  }
0x72: {  	_ =	shalt  }
0x73: {  	_ =	shalt  }
0x74: {  	_ =	shalt  }
0x75: {  	_ =	shalt  }
0x76: {  	_ =	shalt  }
0x77: {  	_ =	shalt  }
0x78: {  	_ =	shalt  }
0x79: {  	_ =	shalt  }
0x7a: {  	_ =	shalt  }
0x7b: {  	_ =	shalt  }
0x7c: {  	_ =	shalt  }
0x7d: {  	_ =	shalt  }
0x7e: {  	_ =	shalt  }
0x7f: {  	_ =	shalt  }
0x80: {  	_ =	shalt  }
0x81: {  	_ =	shalt  }
0x82: {  	_ =	shalt  }
0x83: {  	_ =	shalt  }
0x84: {  	_ =	shalt  }
0x85: {  	_ =	shalt  }
0x86: {  	_ =	shalt  }
0x87: {  	_ =	shalt  }
.Lfunc_end0:
.L_simem_size_0:
called_computation_lowered:
.L_overlay_start_0:
0x88: {  	s2 =	sld [smem:$0x3FD9]  }
0x89: {  	s3 =	sld [smem:$0x3FFE];
	_ =	sdelay $0x1  }
0x8a: {  	s1 =	srdreg.scid  }
0x8b: {  	s0 =	sand.u32 $0x1, s1  }
0x8c: {  	s14 =	sshll.u32 s0, $0xA;
	s2 =	sadd.s32 s3, s2  }
0x8d: {  	s2 =	sadd.s32 s2, s14  }
0x8e: {  	[smem:$0x3FC6] =	sst s2  }
0x8f: {  	_ = 	snop  }
0x90: {  	s2 =	sld [smem:$0x3FD0];
	_ =	sdelay $0x2  }
0x91: {  	s15 =	simm.s32 $0xA;
	s4 =	simm.s32 $0x10  }
0x92: {  	[smem:s4], [sflag:s15] =	dma.local [hbm:s2], $0x1  }
0x93: {  	_ =	swait.eq [sflag:s15], $0x1  }
0x94: {  	[sflag:s15] =	ssyncset.done $0x0  }
0x95: {  	s16 =	sld [smem:$0x10];
	[sflag:s15] =	ssyncadd.s32 $0xFFFFFFFF  }
0x96: {  	s17 =	sld [smem:$0x11];
	(tm) =	ssettm $0x1  }
0x97: {  	s18 =	sld [smem:$0x3FFB];
	_ =	sdelay $0x3  }
0x98: {  	_ =	strace s18  }
0x99: {  	s4 =	sld [smem:$0x3FFC];
	_ =	sdelay $0x3  }
0x9a: {  	_ =	strace s4  }
0x9b: {  	s4 =	sld [smem:$0x3FFD];
	_ =	sdelay $0x3  }
0x9c: {  	_ =	strace s4  }
0x9d: {  	_ =	strace $0x8FFFFFFF  }
0x9e: {  	s19 =	sld [smem:$0x3FDB];
	_ =	sdelay $0x1  }
0x9f: {  	s5 =	simm.s32 $_scs_section_size  }
0xa0: {  	s6 =	simm.s32 $_size__tile_overlayer_lowered;
	s7 =	simm.s32 $_tile_overlayer_lowered  }
0xa1: {  	s22 =	simm.s32 $0x1BFF;
	s21 =	sshll.u32 s7, $0x1;
	s4 =	sadd.s32 s5, s19  }
0xa2: {  	s8 =	simm.s32 $0x0;
	s20 =	sshll.u32 s6, $0x1;
	s6 =	sadd.s32 s21, s4  }
0xa3: {  	[timem:s8], [sflag:s22] =	dma.local [hbm:s6], s20  }
0xa4: {  	_ =	swait.ge [sflag:s22], s20  }
0xa5: {  	s5 =	ssub.s32 $0x0, s20;
	[sflag:s22] =	ssyncset.done $0x0  }
0xa6: {  	[sflag:s22] =	ssyncadd.s32 s5;
	_ =	sdelay $0x1  }
0xa7: {  	s23 =	simm.s32 $0x1B8B  }
0xa8: {  	_ =	swait.ge [sflag:s23], $0x1  }
0xa9: {  	[sflag:s23] =	ssyncset.done $0x0  }
0xaa: {  	s25 =	simm.s32 $0x1B8E;
	s24 =	sld [smem:$0x3FFE];
	[sflag:s23] =	ssyncadd.s32 $0xFFFFFFFF  }
0xab: {  	s26 =	simm.s32 $execute0_lowered;
	[smem:$0x3FD2] =	sst s25  }
0xac: {  	s6 =	sshll.u32 s26, $0x1;
	_ =	strace $0x80000046;
	[dreg:$0x1] =	wrdreg $0xFFFFFFFF  }
0xad: {  	s28 =	simm.s32 $_size_execute0_lowered;
	s4 =	sadd.s32 s4, s6;
	[dreg:$0x0] =	wrdreg $0x0  }
0xae: {  	s6 =	sshll.u32 s28, $0x1;
	[dreg:$0x2] =	wrdreg s4  }
0xaf: {  	[dreg:$0x3] =	wrdreg s6  }
0xb0: {  	[dreg:$0x4] =	wrdreg $0xC0  }
0xb1: {  	_ =	task [dreg:s8], $0x5FFFF  }
0xb2: {  	[dreg:$0x1] =	wrdreg $0xFFFFFFFF  }
0xb3: {  	[dreg:$0x0] =	wrdreg $0x60  }
0xb4: {  	[dreg:$0x2] =	wrdreg s16  }
0xb5: {  	[dreg:$0x3] =	wrdreg s24  }
0xb6: {  	[dreg:$0x4] =	wrdreg s17  }
0xb7: {  	[dreg:$0x5] =	wrdreg $0x9  }
0xb8: {  	_ =	task.clear_ibuf [dreg:s8], $0x6FFFF;
	_ =	strace $0x90000046  }
0xb9: {  	s29 =	simm.s32 $0x9;
	_ =	strace $0x80000048  }
0xba: {  	_ =	swait.ge [sflag:s29], $0x1  }
0xbb: {  	[sflag:s29] =	ssyncadd.s32 $0xFFFFFFFF  }
0xbc: {  	_ =	strace $0x90000048  }
0xbd: {  	_ =	sfence  }
0xbe: {  	s30 =	sld [smem:$0x0];
	_ =	sdelay $0x2  }
0xbf: {  	s31 =	sshll.u32 s1, $0xD;
	s1 =	sshrl.u32 s1, $0x2  }
0xc0: {  	s3 =	sand.u32 $0x4000, s31;
	s1 =	sadd.s32 s1, s30  }
0xc1: {  	s0 =	sor.u32 s3, s0;
	s1 =	sshll.u32 s1, $0x11  }
0xc2: {  	s0 =	sor.u32 s1, s0  }
0xc3: {  	s0 =	sadd.s32 $0x8F2B, s0  }
0xc4: {  	[sflag:s0] =	ssyncadd.remote.s32 $0x1  }
0xc5: {  	_ =	sfence.sel $0xFFFF  }
0xc6: {  	[dreg:$0x0] =	wrdreg $0xFFFFFFFF;
	(pc) =	sbr.abs _section_cstart, $3  }
0xc7: {  	[dreg:$0x1] =	wrdreg $0xFFFFFFFF  }
0xc8: {  	_ =	task.clear_ibuf [dreg:s8], $0x2FFFF;
	_ =	strace $0x9FFFFFFF  }
0xc9: {  	(tm) =	ssettm $0x7FFFFFFF  }
tec
execute0_lowered:
.L_overlay_start_1:
0x0: {  	(tag) =	ssettag $0x1  }
0x1: {  	s1 =	srdreg.scid  }
0x2: {  	s0 =	stileid.u32;
	s7 =	rddreg [dreg:$0x0];
	s6 =	sand.u32 $0x1, s1  }
0x3: {  	s5 =	rddreg [dreg:$0x1];
	s1 =	sor.u32 s6, s0  }
0x4: {  	s2 =	rddreg [dreg:$0x2];
	p1 =	seq.s32 s6, $0x1;
	p0 =	seq.s32 s1, $0x0  }
0x5: {  	s3 =	simm.s32 $0x0;
	s13 =	simm.s32 $0x400;
	p0 =	por !p0, !p1  }
0x6: {  	s14 =	simm.s32 $0x10400;
	s1 =	simm.s32 $0x1;
	p0 =	por !p0, !p0  }
0x7: {  	s15 =	simm.s32 $0x0;
	[smem:$0x7FF] =	sst s3;
	s1 =	simm.s32 @!p0 $0x0  }
0x8: {  	s10 =	ssub.s32 $0x2, s6;
	s12 =	sshll.u32 s6, $0xE;
	s8 =	ssub.s32 s0, s1  }
0x9: {  	s11 =	sshrl.u32 s10, $0x1;
	s4 =	sshll.u32 s8, $0xA;
	s9 =	sshll.u32 s8, $0x7  }
0xa: {  	s10 =	ssub.s32 s10, s11;
	s4 =	sand.u32 $0xFFFFE000, s4;
	s9 =	sand.u32 $0x380, s9  }
0xb: {  	s6 =	sadd.s32 s7, s12;
	s10 =	smax.u32 s10, $0x1;
	s4 =	sor.u32 s9, s4  }
0xc: {  	s1 =	rddreg [dreg:$0x3];
	_ =	strace $0x80000047;
	s9 =	sshrl.u32 s4, $0x3  }
0xd: {  	s31 =	sshll.u32 s8, $0xF;
	s8 =	sadd.s32 $0x2000, s6;
	s9 =	sadd.s32 s9, s5  }
0xe: {  	s4 =	simm.s32 $0x1;
	s7 =	sadd.s32 $0x1600, s9;
	s9 =	sor.u32 s12, s31  }
0xf: {  	s5 =	sadd.s32 $0x1E00, s5;
	s12 =	simm.s32 $0x80;
	s11 =	sor.u32 $0x2000, s9  }
.LBB2_1:
0x10: {  	[tilespmem:s3], [sflag:$0x1] =	stream.strided.gather [hbm4b:s7+s12], $0x400, s13, s12, $0x38;
	[tilespmem:$0x10800] =	vst v63  }
0x11: {  	_ =	swait.ge [sflag:s4], $0x400  }
0x12: {  	[sflag:s4] =	ssyncset.done $0x0  }
0x13: {  	[sflag:s4] =	ssyncadd.s32 $0xFFFFFC00  }
0x14: {  	[tilespmem:s13], [sflag:$0x1] =	stream.linear.gather [hbm4b:s6+s3], $0x10000, $0x38;
	[tilespmem:$0x10800] =	vst v63  }
0x15: {  	_ =	swait.ge [sflag:s4], $0x10000  }
0x16: {  	[sflag:s4] =	ssyncset.done $0x0  }
0x17: {  	s16 =	smov.u32 s9;
	s17 =	simm.s32 $0x0;
	[sflag:s4] =	ssyncadd.s32 $0xFFFF0000  }
.LBB2_2:
0x18: {  	v0 =	vld [tilespmem:$0x0];
	_ =	sdelay $0x4  }
0x19: {  	v0 =	vadd.s32 s17, v0  }
0x1a: {  	v1 =	vld [tilespmem:$0x10];
	_ =	sdelay $0x3  }
0x1b: {  	v0 =	vld.idx.msk [tilespmem:v0+s13+$0x0], $0xffff  }
0x1c: {  	v1 =	vadd.s32 s17, v1  }
0x1d: {  	v2 =	vld [tilespmem:$0x20];
	_ =	sdelay $0x2  }
0x1e: {  	[tilespmem:$0x10400] =	vst v0  }
0x1f: {  	v0 =	vld.idx.msk [tilespmem:v1+s13+$0x0], $0xffff  }
0x20: {  	v61 =	vadd.s32 s17, v2  }
0x21: {  	v62 =	vld [tilespmem:$0x30];
	_ =	sdelay $0x2  }
0x22: {  	[tilespmem:$0x10410] =	vst v0  }
0x23: {  	v0 =	vld.idx.msk [tilespmem:v61+s13+$0x0], $0xffff  }
0x24: {  	v63 =	vadd.s32 s17, v62  }
0x25: {  	v4 =	vld [tilespmem:$0x40];
	_ =	sdelay $0x2  }
0x26: {  	[tilespmem:$0x10420] =	vst v0  }
0x27: {  	v0 =	vld.idx.msk [tilespmem:v63+s13+$0x0], $0xffff  }
0x28: {  	v5 =	vadd.s32 s17, v4  }
0x29: {  	v6 =	vld [tilespmem:$0x50];
	_ =	sdelay $0x2  }
0x2a: {  	[tilespmem:$0x10430] =	vst v0  }
0x2b: {  	v0 =	vld.idx.msk [tilespmem:v5+s13+$0x0], $0xffff  }
0x2c: {  	v7 =	vadd.s32 s17, v6  }
0x2d: {  	v8 =	vld [tilespmem:$0x60];
	_ =	sdelay $0x2  }
0x2e: {  	[tilespmem:$0x10440] =	vst v0  }
0x2f: {  	v0 =	vld.idx.msk [tilespmem:v7+s13+$0x0], $0xffff  }
0x30: {  	v9 =	vadd.s32 s17, v8  }
0x31: {  	v10 =	vld [tilespmem:$0x70];
	_ =	sdelay $0x2  }
0x32: {  	[tilespmem:$0x10450] =	vst v0  }
0x33: {  	v0 =	vld.idx.msk [tilespmem:v9+s13+$0x0], $0xffff  }
0x34: {  	v11 =	vadd.s32 s17, v10  }
0x35: {  	v12 =	vld [tilespmem:$0x80];
	_ =	sdelay $0x2  }
0x36: {  	[tilespmem:$0x10460] =	vst v0  }
0x37: {  	v0 =	vld.idx.msk [tilespmem:v11+s13+$0x0], $0xffff  }
0x38: {  	v13 =	vadd.s32 s17, v12  }
0x39: {  	v14 =	vld [tilespmem:$0x90];
	_ =	sdelay $0x2  }
0x3a: {  	[tilespmem:$0x10470] =	vst v0  }
0x3b: {  	v0 =	vld.idx.msk [tilespmem:v13+s13+$0x0], $0xffff  }
0x3c: {  	v15 =	vadd.s32 s17, v14  }
0x3d: {  	v16 =	vld [tilespmem:$0xA0];
	_ =	sdelay $0x2  }
0x3e: {  	[tilespmem:$0x10480] =	vst v0  }
0x3f: {  	v0 =	vld.idx.msk [tilespmem:v15+s13+$0x0], $0xffff  }
0x40: {  	v17 =	vadd.s32 s17, v16  }
0x41: {  	v18 =	vld [tilespmem:$0xB0];
	_ =	sdelay $0x2  }
0x42: {  	[tilespmem:$0x10490] =	vst v0  }
0x43: {  	v0 =	vld.idx.msk [tilespmem:v17+s13+$0x0], $0xffff  }
0x44: {  	v19 =	vadd.s32 s17, v18  }
0x45: {  	v20 =	vld [tilespmem:$0xC0];
	_ =	sdelay $0x2  }
0x46: {  	[tilespmem:$0x104A0] =	vst v0  }
0x47: {  	v0 =	vld.idx.msk [tilespmem:v19+s13+$0x0], $0xffff  }
0x48: {  	v21 =	vadd.s32 s17, v20  }
0x49: {  	v22 =	vld [tilespmem:$0xD0];
	_ =	sdelay $0x2  }
0x4a: {  	[tilespmem:$0x104B0] =	vst v0  }
0x4b: {  	v0 =	vld.idx.msk [tilespmem:v21+s13+$0x0], $0xffff  }
0x4c: {  	v23 =	vadd.s32 s17, v22  }
0x4d: {  	v24 =	vld [tilespmem:$0xE0];
	_ =	sdelay $0x2  }
0x4e: {  	[tilespmem:$0x104C0] =	vst v0  }
0x4f: {  	v0 =	vld.idx.msk [tilespmem:v23+s13+$0x0], $0xffff  }
0x50: {  	v25 =	vadd.s32 s17, v24  }
0x51: {  	v26 =	vld [tilespmem:$0xF0];
	_ =	sdelay $0x2  }
0x52: {  	[tilespmem:$0x104D0] =	vst v0  }
0x53: {  	v0 =	vld.idx.msk [tilespmem:v25+s13+$0x0], $0xffff  }
0x54: {  	v27 =	vadd.s32 s17, v26  }
0x55: {  	v28 =	vld [tilespmem:$0x100];
	_ =	sdelay $0x2  }
0x56: {  	[tilespmem:$0x104E0] =	vst v0  }
0x57: {  	v0 =	vld.idx.msk [tilespmem:v27+s13+$0x0], $0xffff  }
0x58: {  	v29 =	vadd.s32 s17, v28  }
0x59: {  	v30 =	vld [tilespmem:$0x110];
	_ =	sdelay $0x2  }
0x5a: {  	[tilespmem:$0x104F0] =	vst v0  }
0x5b: {  	v0 =	vld.idx.msk [tilespmem:v29+s13+$0x0], $0xffff  }
0x5c: {  	v31 =	vadd.s32 s17, v30  }
0x5d: {  	v32 =	vld [tilespmem:$0x120];
	_ =	sdelay $0x2  }
0x5e: {  	[tilespmem:$0x10500] =	vst v0  }
0x5f: {  	v0 =	vld.idx.msk [tilespmem:v31+s13+$0x0], $0xffff  }
0x60: {  	v33 =	vadd.s32 s17, v32  }
0x61: {  	v34 =	vld [tilespmem:$0x130];
	_ =	sdelay $0x2  }
0x62: {  	[tilespmem:$0x10510] =	vst v0  }
0x63: {  	v0 =	vld.idx.msk [tilespmem:v33+s13+$0x0], $0xffff  }
0x64: {  	v35 =	vadd.s32 s17, v34  }
0x65: {  	v36 =	vld [tilespmem:$0x140];
	_ =	sdelay $0x2  }
0x66: {  	[tilespmem:$0x10520] =	vst v0  }
0x67: {  	v0 =	vld.idx.msk [tilespmem:v35+s13+$0x0], $0xffff  }
0x68: {  	v37 =	vadd.s32 s17, v36  }
0x69: {  	v38 =	vld [tilespmem:$0x150];
	_ =	sdelay $0x2  }
0x6a: {  	[tilespmem:$0x10530] =	vst v0  }
0x6b: {  	v0 =	vld.idx.msk [tilespmem:v37+s13+$0x0], $0xffff  }
0x6c: {  	v39 =	vadd.s32 s17, v38  }
0x6d: {  	v40 =	vld [tilespmem:$0x160];
	_ =	sdelay $0x2  }
0x6e: {  	[tilespmem:$0x10540] =	vst v0  }
0x6f: {  	v0 =	vld.idx.msk [tilespmem:v39+s13+$0x0], $0xffff  }
0x70: {  	v41 =	vadd.s32 s17, v40  }
0x71: {  	v42 =	vld [tilespmem:$0x170];
	_ =	sdelay $0x2  }
0x72: {  	[tilespmem:$0x10550] =	vst v0  }
0x73: {  	v0 =	vld.idx.msk [tilespmem:v41+s13+$0x0], $0xffff  }
0x74: {  	v43 =	vadd.s32 s17, v42  }
0x75: {  	v44 =	vld [tilespmem:$0x180];
	_ =	sdelay $0x2  }
0x76: {  	[tilespmem:$0x10560] =	vst v0  }
0x77: {  	v0 =	vld.idx.msk [tilespmem:v43+s13+$0x0], $0xffff  }
0x78: {  	v45 =	vadd.s32 s17, v44  }
0x79: {  	v46 =	vld [tilespmem:$0x190];
	_ =	sdelay $0x2  }
0x7a: {  	[tilespmem:$0x10570] =	vst v0  }
0x7b: {  	v0 =	vld.idx.msk [tilespmem:v45+s13+$0x0], $0xffff  }
0x7c: {  	v47 =	vadd.s32 s17, v46  }
0x7d: {  	v48 =	vld [tilespmem:$0x1A0];
	_ =	sdelay $0x2  }
0x7e: {  	[tilespmem:$0x10580] =	vst v0  }
0x7f: {  	v0 =	vld.idx.msk [tilespmem:v47+s13+$0x0], $0xffff  }
0x80: {  	v49 =	vadd.s32 s17, v48  }
0x81: {  	v50 =	vld [tilespmem:$0x1B0];
	_ =	sdelay $0x2  }
0x82: {  	[tilespmem:$0x10590] =	vst v0  }
0x83: {  	v0 =	vld.idx.msk [tilespmem:v49+s13+$0x0], $0xffff  }
0x84: {  	v51 =	vadd.s32 s17, v50  }
0x85: {  	v52 =	vld [tilespmem:$0x1C0];
	_ =	sdelay $0x2  }
0x86: {  	[tilespmem:$0x105A0] =	vst v0  }
0x87: {  	v0 =	vld.idx.msk [tilespmem:v51+s13+$0x0], $0xffff  }
0x88: {  	v53 =	vadd.s32 s17, v52  }
0x89: {  	v54 =	vld [tilespmem:$0x1D0];
	_ =	sdelay $0x2  }
0x8a: {  	[tilespmem:$0x105B0] =	vst v0  }
0x8b: {  	v0 =	vld.idx.msk [tilespmem:v53+s13+$0x0], $0xffff  }
0x8c: {  	v55 =	vadd.s32 s17, v54  }
0x8d: {  	v56 =	vld [tilespmem:$0x1E0];
	_ =	sdelay $0x2  }
0x8e: {  	[tilespmem:$0x105C0] =	vst v0  }
0x8f: {  	v0 =	vld.idx.msk [tilespmem:v55+s13+$0x0], $0xffff  }
0x90: {  	v57 =	vadd.s32 s17, v56  }
0x91: {  	v58 =	vld [tilespmem:$0x1F0];
	_ =	sdelay $0x2  }
0x92: {  	[tilespmem:$0x105D0] =	vst v0  }
0x93: {  	v0 =	vld.idx.msk [tilespmem:v57+s13+$0x0], $0xffff  }
0x94: {  	v59 =	vadd.s32 s17, v58  }
0x95: {  	v60 =	vld [tilespmem:$0x200];
	_ =	sdelay $0x2  }
0x96: {  	[tilespmem:$0x105E0] =	vst v0  }
0x97: {  	v0 =	vld.idx.msk [tilespmem:v59+s13+$0x0], $0xffff  }
0x98: {  	v61 =	vadd.s32 s17, v60  }
0x99: {  	v62 =	vld [tilespmem:$0x210];
	_ =	sdelay $0x2  }
0x9a: {  	[tilespmem:$0x105F0] =	vst v0  }
0x9b: {  	v0 =	vld.idx.msk [tilespmem:v61+s13+$0x0], $0xffff  }
0x9c: {  	v63 =	vadd.s32 s17, v62  }
0x9d: {  	v4 =	vld [tilespmem:$0x220];
	_ =	sdelay $0x2  }
0x9e: {  	[tilespmem:$0x10600] =	vst v0  }
0x9f: {  	v0 =	vld.idx.msk [tilespmem:v63+s13+$0x0], $0xffff  }
0xa0: {  	v5 =	vadd.s32 s17, v4  }
0xa1: {  	v6 =	vld [tilespmem:$0x230];
	_ =	sdelay $0x2  }
0xa2: {  	[tilespmem:$0x10610] =	vst v0  }
0xa3: {  	v0 =	vld.idx.msk [tilespmem:v5+s13+$0x0], $0xffff  }
0xa4: {  	v7 =	vadd.s32 s17, v6  }
0xa5: {  	v8 =	vld [tilespmem:$0x240];
	_ =	sdelay $0x2  }
0xa6: {  	[tilespmem:$0x10620] =	vst v0  }
0xa7: {  	v0 =	vld.idx.msk [tilespmem:v7+s13+$0x0], $0xffff  }
0xa8: {  	v9 =	vadd.s32 s17, v8  }
0xa9: {  	v10 =	vld [tilespmem:$0x250];
	_ =	sdelay $0x2  }
0xaa: {  	[tilespmem:$0x10630] =	vst v0  }
0xab: {  	v0 =	vld.idx.msk [tilespmem:v9+s13+$0x0], $0xffff  }
0xac: {  	v11 =	vadd.s32 s17, v10  }
0xad: {  	v12 =	vld [tilespmem:$0x260];
	_ =	sdelay $0x2  }
0xae: {  	[tilespmem:$0x10640] =	vst v0  }
0xaf: {  	v0 =	vld.idx.msk [tilespmem:v11+s13+$0x0], $0xffff  }
0xb0: {  	v13 =	vadd.s32 s17, v12  }
0xb1: {  	v14 =	vld [tilespmem:$0x270];
	_ =	sdelay $0x2  }
0xb2: {  	[tilespmem:$0x10650] =	vst v0  }
0xb3: {  	v0 =	vld.idx.msk [tilespmem:v13+s13+$0x0], $0xffff  }
0xb4: {  	v15 =	vadd.s32 s17, v14  }
0xb5: {  	v16 =	vld [tilespmem:$0x280];
	_ =	sdelay $0x2  }
0xb6: {  	[tilespmem:$0x10660] =	vst v0  }
0xb7: {  	v0 =	vld.idx.msk [tilespmem:v15+s13+$0x0], $0xffff  }
0xb8: {  	v17 =	vadd.s32 s17, v16  }
0xb9: {  	v18 =	vld [tilespmem:$0x290];
	_ =	sdelay $0x2  }
0xba: {  	[tilespmem:$0x10670] =	vst v0  }
0xbb: {  	v0 =	vld.idx.msk [tilespmem:v17+s13+$0x0], $0xffff  }
0xbc: {  	v19 =	vadd.s32 s17, v18  }
0xbd: {  	v20 =	vld [tilespmem:$0x2A0];
	_ =	sdelay $0x2  }
0xbe: {  	[tilespmem:$0x10680] =	vst v0  }
0xbf: {  	v0 =	vld.idx.msk [tilespmem:v19+s13+$0x0], $0xffff  }
0xc0: {  	v21 =	vadd.s32 s17, v20  }
0xc1: {  	v22 =	vld [tilespmem:$0x2B0];
	_ =	sdelay $0x2  }
0xc2: {  	[tilespmem:$0x10690] =	vst v0  }
0xc3: {  	v0 =	vld.idx.msk [tilespmem:v21+s13+$0x0], $0xffff  }
0xc4: {  	v23 =	vadd.s32 s17, v22  }
0xc5: {  	v24 =	vld [tilespmem:$0x2C0];
	_ =	sdelay $0x2  }
0xc6: {  	[tilespmem:$0x106A0] =	vst v0  }
0xc7: {  	v0 =	vld.idx.msk [tilespmem:v23+s13+$0x0], $0xffff  }
0xc8: {  	v25 =	vadd.s32 s17, v24  }
0xc9: {  	v26 =	vld [tilespmem:$0x2D0];
	_ =	sdelay $0x2  }
0xca: {  	[tilespmem:$0x106B0] =	vst v0  }
0xcb: {  	v0 =	vld.idx.msk [tilespmem:v25+s13+$0x0], $0xffff  }
0xcc: {  	v27 =	vadd.s32 s17, v26  }
0xcd: {  	v28 =	vld [tilespmem:$0x2E0];
	_ =	sdelay $0x2  }
0xce: {  	[tilespmem:$0x106C0] =	vst v0  }
0xcf: {  	v0 =	vld.idx.msk [tilespmem:v27+s13+$0x0], $0xffff  }
0xd0: {  	v29 =	vadd.s32 s17, v28  }
0xd1: {  	v30 =	vld [tilespmem:$0x2F0];
	_ =	sdelay $0x2  }
0xd2: {  	[tilespmem:$0x106D0] =	vst v0  }
0xd3: {  	v0 =	vld.idx.msk [tilespmem:v29+s13+$0x0], $0xffff  }
0xd4: {  	v31 =	vadd.s32 s17, v30  }
0xd5: {  	v32 =	vld [tilespmem:$0x300];
	_ =	sdelay $0x2  }
0xd6: {  	[tilespmem:$0x106E0] =	vst v0  }
0xd7: {  	v0 =	vld.idx.msk [tilespmem:v31+s13+$0x0], $0xffff  }
0xd8: {  	v33 =	vadd.s32 s17, v32  }
0xd9: {  	v34 =	vld [tilespmem:$0x310];
	_ =	sdelay $0x2  }
0xda: {  	[tilespmem:$0x106F0] =	vst v0  }
0xdb: {  	v0 =	vld.idx.msk [tilespmem:v33+s13+$0x0], $0xffff  }
0xdc: {  	v35 =	vadd.s32 s17, v34  }
0xdd: {  	v36 =	vld [tilespmem:$0x320];
	_ =	sdelay $0x2  }
0xde: {  	[tilespmem:$0x10700] =	vst v0  }
0xdf: {  	v0 =	vld.idx.msk [tilespmem:v35+s13+$0x0], $0xffff  }
0xe0: {  	v37 =	vadd.s32 s17, v36  }
0xe1: {  	v38 =	vld [tilespmem:$0x330];
	_ =	sdelay $0x2  }
0xe2: {  	[tilespmem:$0x10710] =	vst v0  }
0xe3: {  	v0 =	vld.idx.msk [tilespmem:v37+s13+$0x0], $0xffff  }
0xe4: {  	v39 =	vadd.s32 s17, v38  }
0xe5: {  	v40 =	vld [tilespmem:$0x340];
	_ =	sdelay $0x2  }
0xe6: {  	[tilespmem:$0x10720] =	vst v0  }
0xe7: {  	v0 =	vld.idx.msk [tilespmem:v39+s13+$0x0], $0xffff  }
0xe8: {  	v41 =	vadd.s32 s17, v40  }
0xe9: {  	v42 =	vld [tilespmem:$0x350];
	_ =	sdelay $0x2  }
0xea: {  	[tilespmem:$0x10730] =	vst v0  }
0xeb: {  	v0 =	vld.idx.msk [tilespmem:v41+s13+$0x0], $0xffff  }
0xec: {  	v43 =	vadd.s32 s17, v42  }
0xed: {  	v44 =	vld [tilespmem:$0x360];
	_ =	sdelay $0x2  }
0xee: {  	[tilespmem:$0x10740] =	vst v0  }
0xef: {  	v0 =	vld.idx.msk [tilespmem:v43+s13+$0x0], $0xffff  }
0xf0: {  	v45 =	vadd.s32 s17, v44  }
0xf1: {  	v46 =	vld [tilespmem:$0x370];
	_ =	sdelay $0x2  }
0xf2: {  	[tilespmem:$0x10750] =	vst v0  }
0xf3: {  	v0 =	vld.idx.msk [tilespmem:v45+s13+$0x0], $0xffff  }
0xf4: {  	v47 =	vadd.s32 s17, v46  }
0xf5: {  	v48 =	vld [tilespmem:$0x380];
	_ =	sdelay $0x2  }
0xf6: {  	[tilespmem:$0x10760] =	vst v0  }
0xf7: {  	v0 =	vld.idx.msk [tilespmem:v47+s13+$0x0], $0xffff  }
0xf8: {  	v49 =	vadd.s32 s17, v48  }
0xf9: {  	v50 =	vld [tilespmem:$0x390];
	_ =	sdelay $0x2  }
0xfa: {  	[tilespmem:$0x10770] =	vst v0  }
0xfb: {  	v0 =	vld.idx.msk [tilespmem:v49+s13+$0x0], $0xffff  }
0xfc: {  	v51 =	vadd.s32 s17, v50  }
0xfd: {  	v52 =	vld [tilespmem:$0x3A0];
	_ =	sdelay $0x2  }
0xfe: {  	[tilespmem:$0x10780] =	vst v0  }
0xff: {  	v0 =	vld.idx.msk [tilespmem:v51+s13+$0x0], $0xffff  }
0x100: {  	v53 =	vadd.s32 s17, v52  }
0x101: {  	v54 =	vld [tilespmem:$0x3B0];
	_ =	sdelay $0x2  }
0x102: {  	[tilespmem:$0x10790] =	vst v0  }
0x103: {  	v0 =	vld.idx.msk [tilespmem:v53+s13+$0x0], $0xffff  }
0x104: {  	v55 =	vadd.s32 s17, v54  }
0x105: {  	v56 =	vld [tilespmem:$0x3C0];
	_ =	sdelay $0x2  }
0x106: {  	[tilespmem:$0x107A0] =	vst v0  }
0x107: {  	v0 =	vld.idx.msk [tilespmem:v55+s13+$0x0], $0xffff  }
0x108: {  	v57 =	vadd.s32 s17, v56  }
0x109: {  	v58 =	vld [tilespmem:$0x3D0];
	_ =	sdelay $0x2  }
0x10a: {  	[tilespmem:$0x107B0] =	vst v0  }
0x10b: {  	v0 =	vld.idx.msk [tilespmem:v57+s13+$0x0], $0xffff  }
0x10c: {  	v59 =	vadd.s32 s17, v58  }
0x10d: {  	v60 =	vld [tilespmem:$0x3E0];
	_ =	sdelay $0x2  }
0x10e: {  	[tilespmem:$0x107C0] =	vst v0  }
0x10f: {  	v0 =	vld.idx.msk [tilespmem:v59+s13+$0x0], $0xffff  }
0x110: {  	v61 =	vadd.s32 s17, v60  }
0x111: {  	v62 =	vld [tilespmem:$0x3F0];
	_ =	sdelay $0x2  }
0x112: {  	[tilespmem:$0x107D0] =	vst v0  }
0x113: {  	v0 =	vld.idx.msk [tilespmem:v61+s13+$0x0], $0xffff  }
0x114: {  	v63 =	vadd.s32 s17, v62;
	_ =	sdelay $0x3  }
0x115: {  	[tilespmem:$0x107E0] =	vst v0  }
0x116: {  	v0 =	vld.idx.msk [tilespmem:v63+s13+$0x0], $0xffff;
	_ =	sdelay $0x3  }
0x117: {  	s18 =	sand.u32 $0x1FFFDF80, s16  }
0x118: {  	s19 =	sadd.s32 s2, s18;
	[tilespmem:$0x107F0] =	vst v0  }
0x119: {  	[hbm4b:s19+s3] =	stream.linear.scatter [tilespmem:s14], [sflag:$0x1], $0x400, $0x38;
	[tilespmem:$0x10800] =	vst v63  }
0x11a: {  	_ =	swait.ge [sflag:s4], $0x400  }
0x11b: {  	p0 =	sne.s32 s17, $0xFC00;
	[sflag:s4] =	ssyncset.done $0x0  }
.Ltmp0:
0x11c: {  	s18 =	sadd.s32 s5, s18;
	[sflag:s4] =	ssyncadd.s32 $0xFFFFFC00;
	(pc) =	sbr.rel @p0 .LBB2_2-.Ltmp0, $4  }
0x11d: {  	[hbm4b:s18+s3] =	stream.linear.scatter [tilespmem:s14], [sflag:$0x1], $0x400, $0x38;
	[tilespmem:$0x10800] =	vst v63  }
0x11e: {  	_ =	swait.ge [sflag:s4], $0x400  }
0x11f: {  	[sflag:s4] =	ssyncset.done $0x0  }
0x120: {  	s16 =	sadd.s32 $0x80, s16;
	s17 =	sadd.s32 $0x400, s17;
	[sflag:s4] =	ssyncadd.s32 $0xFFFFFC00  }
0x121: {  	s16 =	simm.s32 $0x0  }
0x122: {  	[tilespmem:s13], [sflag:$0x1] =	stream.linear.gather [hbm4b:s8+s16], $0x10000, $0x38;
	[tilespmem:$0x10800] =	vst v63  }
0x123: {  	_ =	swait.ge [sflag:s4], $0x10000  }
0x124: {  	[sflag:s4] =	ssyncset.done $0x0  }
0x125: {  	s17 =	smov.u32 s11;
	[sflag:s4] =	ssyncadd.s32 $0xFFFF0000  }
.LBB2_4:
0x126: {  	v0 =	vld [tilespmem:$0x0];
	_ =	sdelay $0x4  }
0x127: {  	v0 =	vadd.s32 s16, v0  }
0x128: {  	v1 =	vld [tilespmem:$0x10];
	_ =	sdelay $0x3  }
0x129: {  	v0 =	vld.idx.msk [tilespmem:v0+s13+$0x0], $0xffff  }
0x12a: {  	v1 =	vadd.s32 s16, v1  }
0x12b: {  	v2 =	vld [tilespmem:$0x20];
	_ =	sdelay $0x2  }
0x12c: {  	[tilespmem:$0x10400] =	vst v0  }
0x12d: {  	v0 =	vld.idx.msk [tilespmem:v1+s13+$0x0], $0xffff  }
0x12e: {  	v61 =	vadd.s32 s16, v2  }
0x12f: {  	v62 =	vld [tilespmem:$0x30];
	_ =	sdelay $0x2  }
0x130: {  	[tilespmem:$0x10410] =	vst v0  }
0x131: {  	v0 =	vld.idx.msk [tilespmem:v61+s13+$0x0], $0xffff  }
0x132: {  	v63 =	vadd.s32 s16, v62  }
0x133: {  	v4 =	vld [tilespmem:$0x40];
	_ =	sdelay $0x2  }
0x134: {  	[tilespmem:$0x10420] =	vst v0  }
0x135: {  	v0 =	vld.idx.msk [tilespmem:v63+s13+$0x0], $0xffff  }
0x136: {  	v5 =	vadd.s32 s16, v4  }
0x137: {  	v6 =	vld [tilespmem:$0x50];
	_ =	sdelay $0x2  }
0x138: {  	[tilespmem:$0x10430] =	vst v0  }
0x139: {  	v0 =	vld.idx.msk [tilespmem:v5+s13+$0x0], $0xffff  }
0x13a: {  	v7 =	vadd.s32 s16, v6  }
0x13b: {  	v8 =	vld [tilespmem:$0x60];
	_ =	sdelay $0x2  }
0x13c: {  	[tilespmem:$0x10440] =	vst v0  }
0x13d: {  	v0 =	vld.idx.msk [tilespmem:v7+s13+$0x0], $0xffff  }
0x13e: {  	v9 =	vadd.s32 s16, v8  }
0x13f: {  	v10 =	vld [tilespmem:$0x70];
	_ =	sdelay $0x2  }
0x140: {  	[tilespmem:$0x10450] =	vst v0  }
0x141: {  	v0 =	vld.idx.msk [tilespmem:v9+s13+$0x0], $0xffff  }
0x142: {  	v11 =	vadd.s32 s16, v10  }
0x143: {  	v12 =	vld [tilespmem:$0x80];
	_ =	sdelay $0x2  }
0x144: {  	[tilespmem:$0x10460] =	vst v0  }
0x145: {  	v0 =	vld.idx.msk [tilespmem:v11+s13+$0x0], $0xffff  }
0x146: {  	v13 =	vadd.s32 s16, v12  }
0x147: {  	v14 =	vld [tilespmem:$0x90];
	_ =	sdelay $0x2  }
0x148: {  	[tilespmem:$0x10470] =	vst v0  }
0x149: {  	v0 =	vld.idx.msk [tilespmem:v13+s13+$0x0], $0xffff  }
0x14a: {  	v15 =	vadd.s32 s16, v14  }
0x14b: {  	v16 =	vld [tilespmem:$0xA0];
	_ =	sdelay $0x2  }
0x14c: {  	[tilespmem:$0x10480] =	vst v0  }
0x14d: {  	v0 =	vld.idx.msk [tilespmem:v15+s13+$0x0], $0xffff  }
0x14e: {  	v17 =	vadd.s32 s16, v16  }
0x14f: {  	v18 =	vld [tilespmem:$0xB0];
	_ =	sdelay $0x2  }
0x150: {  	[tilespmem:$0x10490] =	vst v0  }
0x151: {  	v0 =	vld.idx.msk [tilespmem:v17+s13+$0x0], $0xffff  }
0x152: {  	v19 =	vadd.s32 s16, v18  }
0x153: {  	v20 =	vld [tilespmem:$0xC0];
	_ =	sdelay $0x2  }
0x154: {  	[tilespmem:$0x104A0] =	vst v0  }
0x155: {  	v0 =	vld.idx.msk [tilespmem:v19+s13+$0x0], $0xffff  }
0x156: {  	v21 =	vadd.s32 s16, v20  }
0x157: {  	v22 =	vld [tilespmem:$0xD0];
	_ =	sdelay $0x2  }
0x158: {  	[tilespmem:$0x104B0] =	vst v0  }
0x159: {  	v0 =	vld.idx.msk [tilespmem:v21+s13+$0x0], $0xffff  }
0x15a: {  	v23 =	vadd.s32 s16, v22  }
0x15b: {  	v24 =	vld [tilespmem:$0xE0];
	_ =	sdelay $0x2  }
0x15c: {  	[tilespmem:$0x104C0] =	vst v0  }
0x15d: {  	v0 =	vld.idx.msk [tilespmem:v23+s13+$0x0], $0xffff  }
0x15e: {  	v25 =	vadd.s32 s16, v24  }
0x15f: {  	v26 =	vld [tilespmem:$0xF0];
	_ =	sdelay $0x2  }
0x160: {  	[tilespmem:$0x104D0] =	vst v0  }
0x161: {  	v0 =	vld.idx.msk [tilespmem:v25+s13+$0x0], $0xffff  }
0x162: {  	v27 =	vadd.s32 s16, v26  }
0x163: {  	v28 =	vld [tilespmem:$0x100];
	_ =	sdelay $0x2  }
0x164: {  	[tilespmem:$0x104E0] =	vst v0  }
0x165: {  	v0 =	vld.idx.msk [tilespmem:v27+s13+$0x0], $0xffff  }
0x166: {  	v29 =	vadd.s32 s16, v28  }
0x167: {  	v30 =	vld [tilespmem:$0x110];
	_ =	sdelay $0x2  }
0x168: {  	[tilespmem:$0x104F0] =	vst v0  }
0x169: {  	v0 =	vld.idx.msk [tilespmem:v29+s13+$0x0], $0xffff  }
0x16a: {  	v31 =	vadd.s32 s16, v30  }
0x16b: {  	v32 =	vld [tilespmem:$0x120];
	_ =	sdelay $0x2  }
0x16c: {  	[tilespmem:$0x10500] =	vst v0  }
0x16d: {  	v0 =	vld.idx.msk [tilespmem:v31+s13+$0x0], $0xffff  }
0x16e: {  	v33 =	vadd.s32 s16, v32  }
0x16f: {  	v34 =	vld [tilespmem:$0x130];
	_ =	sdelay $0x2  }
0x170: {  	[tilespmem:$0x10510] =	vst v0  }
0x171: {  	v0 =	vld.idx.msk [tilespmem:v33+s13+$0x0], $0xffff  }
0x172: {  	v35 =	vadd.s32 s16, v34  }
0x173: {  	v36 =	vld [tilespmem:$0x140];
	_ =	sdelay $0x2  }
0x174: {  	[tilespmem:$0x10520] =	vst v0  }
0x175: {  	v0 =	vld.idx.msk [tilespmem:v35+s13+$0x0], $0xffff  }
0x176: {  	v37 =	vadd.s32 s16, v36  }
0x177: {  	v38 =	vld [tilespmem:$0x150];
	_ =	sdelay $0x2  }
0x178: {  	[tilespmem:$0x10530] =	vst v0  }
0x179: {  	v0 =	vld.idx.msk [tilespmem:v37+s13+$0x0], $0xffff  }
0x17a: {  	v39 =	vadd.s32 s16, v38  }
0x17b: {  	v40 =	vld [tilespmem:$0x160];
	_ =	sdelay $0x2  }
0x17c: {  	[tilespmem:$0x10540] =	vst v0  }
0x17d: {  	v0 =	vld.idx.msk [tilespmem:v39+s13+$0x0], $0xffff  }
0x17e: {  	v41 =	vadd.s32 s16, v40  }
0x17f: {  	v42 =	vld [tilespmem:$0x170];
	_ =	sdelay $0x2  }
0x180: {  	[tilespmem:$0x10550] =	vst v0  }
0x181: {  	v0 =	vld.idx.msk [tilespmem:v41+s13+$0x0], $0xffff  }
0x182: {  	v43 =	vadd.s32 s16, v42  }
0x183: {  	v44 =	vld [tilespmem:$0x180];
	_ =	sdelay $0x2  }
0x184: {  	[tilespmem:$0x10560] =	vst v0  }
0x185: {  	v0 =	vld.idx.msk [tilespmem:v43+s13+$0x0], $0xffff  }
0x186: {  	v45 =	vadd.s32 s16, v44  }
0x187: {  	v46 =	vld [tilespmem:$0x190];
	_ =	sdelay $0x2  }
0x188: {  	[tilespmem:$0x10570] =	vst v0  }
0x189: {  	v0 =	vld.idx.msk [tilespmem:v45+s13+$0x0], $0xffff  }
0x18a: {  	v47 =	vadd.s32 s16, v46  }
0x18b: {  	v48 =	vld [tilespmem:$0x1A0];
	_ =	sdelay $0x2  }
0x18c: {  	[tilespmem:$0x10580] =	vst v0  }
0x18d: {  	v0 =	vld.idx.msk [tilespmem:v47+s13+$0x0], $0xffff  }
0x18e: {  	v49 =	vadd.s32 s16, v48  }
0x18f: {  	v50 =	vld [tilespmem:$0x1B0];
	_ =	sdelay $0x2  }
0x190: {  	[tilespmem:$0x10590] =	vst v0  }
0x191: {  	v0 =	vld.idx.msk [tilespmem:v49+s13+$0x0], $0xffff  }
0x192: {  	v51 =	vadd.s32 s16, v50  }
0x193: {  	v52 =	vld [tilespmem:$0x1C0];
	_ =	sdelay $0x2  }
0x194: {  	[tilespmem:$0x105A0] =	vst v0  }
0x195: {  	v0 =	vld.idx.msk [tilespmem:v51+s13+$0x0], $0xffff  }
0x196: {  	v53 =	vadd.s32 s16, v52  }
0x197: {  	v54 =	vld [tilespmem:$0x1D0];
	_ =	sdelay $0x2  }
0x198: {  	[tilespmem:$0x105B0] =	vst v0  }
0x199: {  	v0 =	vld.idx.msk [tilespmem:v53+s13+$0x0], $0xffff  }
0x19a: {  	v55 =	vadd.s32 s16, v54  }
0x19b: {  	v56 =	vld [tilespmem:$0x1E0];
	_ =	sdelay $0x2  }
0x19c: {  	[tilespmem:$0x105C0] =	vst v0  }
0x19d: {  	v0 =	vld.idx.msk [tilespmem:v55+s13+$0x0], $0xffff  }
0x19e: {  	v57 =	vadd.s32 s16, v56  }
0x19f: {  	v58 =	vld [tilespmem:$0x1F0];
	_ =	sdelay $0x2  }
0x1a0: {  	[tilespmem:$0x105D0] =	vst v0  }
0x1a1: {  	v0 =	vld.idx.msk [tilespmem:v57+s13+$0x0], $0xffff  }
0x1a2: {  	v59 =	vadd.s32 s16, v58  }
0x1a3: {  	v60 =	vld [tilespmem:$0x200];
	_ =	sdelay $0x2  }
0x1a4: {  	[tilespmem:$0x105E0] =	vst v0  }
0x1a5: {  	v0 =	vld.idx.msk [tilespmem:v59+s13+$0x0], $0xffff  }
0x1a6: {  	v61 =	vadd.s32 s16, v60  }
0x1a7: {  	v62 =	vld [tilespmem:$0x210];
	_ =	sdelay $0x2  }
0x1a8: {  	[tilespmem:$0x105F0] =	vst v0  }
0x1a9: {  	v0 =	vld.idx.msk [tilespmem:v61+s13+$0x0], $0xffff  }
0x1aa: {  	v63 =	vadd.s32 s16, v62  }
0x1ab: {  	v4 =	vld [tilespmem:$0x220];
	_ =	sdelay $0x2  }
0x1ac: {  	[tilespmem:$0x10600] =	vst v0  }
0x1ad: {  	v0 =	vld.idx.msk [tilespmem:v63+s13+$0x0], $0xffff  }
0x1ae: {  	v5 =	vadd.s32 s16, v4  }
0x1af: {  	v6 =	vld [tilespmem:$0x230];
	_ =	sdelay $0x2  }
0x1b0: {  	[tilespmem:$0x10610] =	vst v0  }
0x1b1: {  	v0 =	vld.idx.msk [tilespmem:v5+s13+$0x0], $0xffff  }
0x1b2: {  	v7 =	vadd.s32 s16, v6  }
0x1b3: {  	v8 =	vld [tilespmem:$0x240];
	_ =	sdelay $0x2  }
0x1b4: {  	[tilespmem:$0x10620] =	vst v0  }
0x1b5: {  	v0 =	vld.idx.msk [tilespmem:v7+s13+$0x0], $0xffff  }
0x1b6: {  	v9 =	vadd.s32 s16, v8  }
0x1b7: {  	v10 =	vld [tilespmem:$0x250];
	_ =	sdelay $0x2  }
0x1b8: {  	[tilespmem:$0x10630] =	vst v0  }
0x1b9: {  	v0 =	vld.idx.msk [tilespmem:v9+s13+$0x0], $0xffff  }
0x1ba: {  	v11 =	vadd.s32 s16, v10  }
0x1bb: {  	v12 =	vld [tilespmem:$0x260];
	_ =	sdelay $0x2  }
0x1bc: {  	[tilespmem:$0x10640] =	vst v0  }
0x1bd: {  	v0 =	vld.idx.msk [tilespmem:v11+s13+$0x0], $0xffff  }
0x1be: {  	v13 =	vadd.s32 s16, v12  }
0x1bf: {  	v14 =	vld [tilespmem:$0x270];
	_ =	sdelay $0x2  }
0x1c0: {  	[tilespmem:$0x10650] =	vst v0  }
0x1c1: {  	v0 =	vld.idx.msk [tilespmem:v13+s13+$0x0], $0xffff  }
0x1c2: {  	v15 =	vadd.s32 s16, v14  }
0x1c3: {  	v16 =	vld [tilespmem:$0x280];
	_ =	sdelay $0x2  }
0x1c4: {  	[tilespmem:$0x10660] =	vst v0  }
0x1c5: {  	v0 =	vld.idx.msk [tilespmem:v15+s13+$0x0], $0xffff  }
0x1c6: {  	v17 =	vadd.s32 s16, v16  }
0x1c7: {  	v18 =	vld [tilespmem:$0x290];
	_ =	sdelay $0x2  }
0x1c8: {  	[tilespmem:$0x10670] =	vst v0  }
0x1c9: {  	v0 =	vld.idx.msk [tilespmem:v17+s13+$0x0], $0xffff  }
0x1ca: {  	v19 =	vadd.s32 s16, v18  }
0x1cb: {  	v20 =	vld [tilespmem:$0x2A0];
	_ =	sdelay $0x2  }
0x1cc: {  	[tilespmem:$0x10680] =	vst v0  }
0x1cd: {  	v0 =	vld.idx.msk [tilespmem:v19+s13+$0x0], $0xffff  }
0x1ce: {  	v21 =	vadd.s32 s16, v20  }
0x1cf: {  	v22 =	vld [tilespmem:$0x2B0];
	_ =	sdelay $0x2  }
0x1d0: {  	[tilespmem:$0x10690] =	vst v0  }
0x1d1: {  	v0 =	vld.idx.msk [tilespmem:v21+s13+$0x0], $0xffff  }
0x1d2: {  	v23 =	vadd.s32 s16, v22  }
0x1d3: {  	v24 =	vld [tilespmem:$0x2C0];
	_ =	sdelay $0x2  }
0x1d4: {  	[tilespmem:$0x106A0] =	vst v0  }
0x1d5: {  	v0 =	vld.idx.msk [tilespmem:v23+s13+$0x0], $0xffff  }
0x1d6: {  	v25 =	vadd.s32 s16, v24  }
0x1d7: {  	v26 =	vld [tilespmem:$0x2D0];
	_ =	sdelay $0x2  }
0x1d8: {  	[tilespmem:$0x106B0] =	vst v0  }
0x1d9: {  	v0 =	vld.idx.msk [tilespmem:v25+s13+$0x0], $0xffff  }
0x1da: {  	v27 =	vadd.s32 s16, v26  }
0x1db: {  	v28 =	vld [tilespmem:$0x2E0];
	_ =	sdelay $0x2  }
0x1dc: {  	[tilespmem:$0x106C0] =	vst v0  }
0x1dd: {  	v0 =	vld.idx.msk [tilespmem:v27+s13+$0x0], $0xffff  }
0x1de: {  	v29 =	vadd.s32 s16, v28  }
0x1df: {  	v30 =	vld [tilespmem:$0x2F0];
	_ =	sdelay $0x2  }
0x1e0: {  	[tilespmem:$0x106D0] =	vst v0  }
0x1e1: {  	v0 =	vld.idx.msk [tilespmem:v29+s13+$0x0], $0xffff  }
0x1e2: {  	v31 =	vadd.s32 s16, v30  }
0x1e3: {  	v32 =	vld [tilespmem:$0x300];
	_ =	sdelay $0x2  }
0x1e4: {  	[tilespmem:$0x106E0] =	vst v0  }
0x1e5: {  	v0 =	vld.idx.msk [tilespmem:v31+s13+$0x0], $0xffff  }
0x1e6: {  	v33 =	vadd.s32 s16, v32  }
0x1e7: {  	v34 =	vld [tilespmem:$0x310];
	_ =	sdelay $0x2  }
0x1e8: {  	[tilespmem:$0x106F0] =	vst v0  }
0x1e9: {  	v0 =	vld.idx.msk [tilespmem:v33+s13+$0x0], $0xffff  }
0x1ea: {  	v35 =	vadd.s32 s16, v34  }
0x1eb: {  	v36 =	vld [tilespmem:$0x320];
	_ =	sdelay $0x2  }
0x1ec: {  	[tilespmem:$0x10700] =	vst v0  }
0x1ed: {  	v0 =	vld.idx.msk [tilespmem:v35+s13+$0x0], $0xffff  }
0x1ee: {  	v37 =	vadd.s32 s16, v36  }
0x1ef: {  	v38 =	vld [tilespmem:$0x330];
	_ =	sdelay $0x2  }
0x1f0: {  	[tilespmem:$0x10710] =	vst v0  }
0x1f1: {  	v0 =	vld.idx.msk [tilespmem:v37+s13+$0x0], $0xffff  }
0x1f2: {  	v39 =	vadd.s32 s16, v38  }
0x1f3: {  	v40 =	vld [tilespmem:$0x340];
	_ =	sdelay $0x2  }
0x1f4: {  	[tilespmem:$0x10720] =	vst v0  }
0x1f5: {  	v0 =	vld.idx.msk [tilespmem:v39+s13+$0x0], $0xffff  }
0x1f6: {  	v41 =	vadd.s32 s16, v40  }
0x1f7: {  	v42 =	vld [tilespmem:$0x350];
	_ =	sdelay $0x2  }
0x1f8: {  	[tilespmem:$0x10730] =	vst v0  }
0x1f9: {  	v0 =	vld.idx.msk [tilespmem:v41+s13+$0x0], $0xffff  }
0x1fa: {  	v43 =	vadd.s32 s16, v42  }
0x1fb: {  	v44 =	vld [tilespmem:$0x360];
	_ =	sdelay $0x2  }
0x1fc: {  	[tilespmem:$0x10740] =	vst v0  }
0x1fd: {  	v0 =	vld.idx.msk [tilespmem:v43+s13+$0x0], $0xffff  }
0x1fe: {  	v45 =	vadd.s32 s16, v44  }
0x1ff: {  	v46 =	vld [tilespmem:$0x370];
	_ =	sdelay $0x2  }
0x200: {  	[tilespmem:$0x10750] =	vst v0  }
0x201: {  	v0 =	vld.idx.msk [tilespmem:v45+s13+$0x0], $0xffff  }
0x202: {  	v47 =	vadd.s32 s16, v46  }
0x203: {  	v48 =	vld [tilespmem:$0x380];
	_ =	sdelay $0x2  }
0x204: {  	[tilespmem:$0x10760] =	vst v0  }
0x205: {  	v0 =	vld.idx.msk [tilespmem:v47+s13+$0x0], $0xffff  }
0x206: {  	v49 =	vadd.s32 s16, v48  }
0x207: {  	v50 =	vld [tilespmem:$0x390];
	_ =	sdelay $0x2  }
0x208: {  	[tilespmem:$0x10770] =	vst v0  }
0x209: {  	v0 =	vld.idx.msk [tilespmem:v49+s13+$0x0], $0xffff  }
0x20a: {  	v51 =	vadd.s32 s16, v50  }
0x20b: {  	v52 =	vld [tilespmem:$0x3A0];
	_ =	sdelay $0x2  }
0x20c: {  	[tilespmem:$0x10780] =	vst v0  }
0x20d: {  	v0 =	vld.idx.msk [tilespmem:v51+s13+$0x0], $0xffff  }
0x20e: {  	v53 =	vadd.s32 s16, v52  }
0x20f: {  	v54 =	vld [tilespmem:$0x3B0];
	_ =	sdelay $0x2  }
0x210: {  	[tilespmem:$0x10790] =	vst v0  }
0x211: {  	v0 =	vld.idx.msk [tilespmem:v53+s13+$0x0], $0xffff  }
0x212: {  	v55 =	vadd.s32 s16, v54  }
0x213: {  	v56 =	vld [tilespmem:$0x3C0];
	_ =	sdelay $0x2  }
0x214: {  	[tilespmem:$0x107A0] =	vst v0  }
0x215: {  	v0 =	vld.idx.msk [tilespmem:v55+s13+$0x0], $0xffff  }
0x216: {  	v57 =	vadd.s32 s16, v56  }
0x217: {  	v58 =	vld [tilespmem:$0x3D0];
	_ =	sdelay $0x2  }
0x218: {  	[tilespmem:$0x107B0] =	vst v0  }
0x219: {  	v0 =	vld.idx.msk [tilespmem:v57+s13+$0x0], $0xffff  }
0x21a: {  	v59 =	vadd.s32 s16, v58  }
0x21b: {  	v60 =	vld [tilespmem:$0x3E0];
	_ =	sdelay $0x2  }
0x21c: {  	[tilespmem:$0x107C0] =	vst v0  }
0x21d: {  	v0 =	vld.idx.msk [tilespmem:v59+s13+$0x0], $0xffff  }
0x21e: {  	v61 =	vadd.s32 s16, v60  }
0x21f: {  	v62 =	vld [tilespmem:$0x3F0];
	_ =	sdelay $0x2  }
0x220: {  	[tilespmem:$0x107D0] =	vst v0  }
0x221: {  	v0 =	vld.idx.msk [tilespmem:v61+s13+$0x0], $0xffff  }
0x222: {  	v63 =	vadd.s32 s16, v62;
	_ =	sdelay $0x3  }
0x223: {  	[tilespmem:$0x107E0] =	vst v0  }
0x224: {  	v0 =	vld.idx.msk [tilespmem:v63+s13+$0x0], $0xffff;
	_ =	sdelay $0x3  }
0x225: {  	s18 =	sand.u32 $0x1FFFFF80, s17  }
0x226: {  	s19 =	sadd.s32 s2, s18;
	[tilespmem:$0x107F0] =	vst v0  }
0x227: {  	[hbm4b:s19+s3] =	stream.linear.scatter [tilespmem:s14], [sflag:$0x1], $0x400, $0x38;
	[tilespmem:$0x10800] =	vst v63  }
0x228: {  	_ =	swait.ge [sflag:s4], $0x400  }
0x229: {  	p0 =	sne.s32 s16, $0xFC00;
	[sflag:s4] =	ssyncset.done $0x0  }
.Ltmp1:
0x22a: {  	s18 =	sadd.s32 s5, s18;
	[sflag:s4] =	ssyncadd.s32 $0xFFFFFC00;
	(pc) =	sbr.rel @p0 .LBB2_4-.Ltmp1, $4  }
0x22b: {  	[hbm4b:s18+s3] =	stream.linear.scatter [tilespmem:s14], [sflag:$0x1], $0x400, $0x38;
	[tilespmem:$0x10800] =	vst v63  }
0x22c: {  	_ =	swait.ge [sflag:s4], $0x400  }
0x22d: {  	[sflag:s4] =	ssyncset.done $0x0  }
0x22e: {  	s17 =	sadd.s32 $0x80, s17;
	s16 =	sadd.s32 $0x400, s16;
	[sflag:s4] =	ssyncadd.s32 $0xFFFFFC00  }
0x22f: {  	s15 =	sadd.s32 $0x1, s15  }
0x230: {  	p0 =	sne.s32 s15, s10  }
.Ltmp2:
0x231: {  	_ = 	snop;
	(pc) =	sbr.rel @p0 .LBB2_1-.Ltmp2, $1  }
0x232: {  	_ =	sdelay $0x3  }
0x233: {  	_ =	sfence.sel $0x180000  }
0x234: {  	[bflag:$0x0] =	sbarrier.arrive $0xFFFF  }
0x235: {  	p0 =	sne.s32 s0, $0x0;
	_ =	strace $0x90000047  }
0x236: {  	s0 =	sadd.s32 @!p0 $0x100000, s1;
	[bflag:$0x2] =	sbarrier.arrive $0xFFFF  }
0x237: {  	[sflag:s0] =	ssyncadd.tile.s32 @!p0 $0x1;
	_ =	shalt  }
.Lfunc_end2:
_tile_overlayer_lowered:
.L_overlay_start_2:
0x238: {  	(tag) =	ssettag $0x2  }
0x239: {  	s0 =	rddreg [dreg:$0x0];
	s2 =	stileid.u32  }
0x23a: {  	s1 =	rddreg [dreg:$0x1];
	p0 =	sne.s32 s2, $0x0  }
0x23b: {  	s3 =	rddreg [dreg:$0x2];
	[bflag:$0x3] =	sbarrier.arrive $0xFFFF;
	s2 =	simm.s32 @!p0 $0x1C01  }
0x23c: {  	[timem:s3], [sflag:s2] =	dma.local @!p0 [hbm:s0], s1  }
0x23d: {  	s0 =	simm.s32 @!p0 $0x1  }
0x23e: {  	_ =	swait.ge @!p0 [sflag:s0], s1  }
0x23f: {  	s1 =	ssub.s32 @!p0 $0x0, s1;
	[sflag:s0] =	ssyncset.done @!p0 $0x0  }
0x240: {  	[sflag:s0] =	ssyncadd.s32 @!p0 s1  }
0x241: {  	[bflag:$0x3] =	sbarrier.arrive $0xFFFF  }
0x242: {  	_ =	shalt  }

</sc_bundles>
